<compile_context>
chip_gen: v7x
topology: tpu7x:2x2x1
jax: 0.10.2.dev20260603
libtpu: 0.0.44.dev20260713+nightly
codegen_flags: <defaults>
</compile_context>

<pallas_src>
import functools

import jax
import jax.numpy as jnp
from jax import lax
from jax.experimental import pallas as pl
from jax.experimental.pallas import tpu as pltpu
from jax.experimental.pallas import tpu_sc as plsc

_N = 10000
_E = 320000
_D = 128

_NC = 2
_NS = 16
_NW = _NC * _NS
_CHUNK = 80
_CPW = _E // (_NW * _CHUNK)
_G = 5
_IB = _CPW // _G

_mesh = plsc.VectorSubcoreMesh(core_axis_name="c", subcore_axis_name="s")


_RB = 640
_RB_LAST = _N - (_NS - 1) * _RB


def _row_split(s, fn):
    @pl.when(s < _NS - 1)
    def _():
        fn(pl.multiple_of(s * _RB, _RB), _RB)

    @pl.when(s == _NS - 1)
    def _():
        fn((_NS - 1) * _RB, _RB_LAST)


@functools.partial(
    pl.kernel,
    out_type=[
        jax.ShapeDtypeStruct((_N,), jnp.float32),
        jax.ShapeDtypeStruct((_N,), jnp.float32),
    ],
    mesh=_mesh,
    scratch_types=[
        pltpu.VMEM_SHARED((_N,), jnp.float32),
        pltpu.VMEM((_G, _IB, _CHUNK), jnp.int32),
        pltpu.VMEM((_CHUNK,), jnp.float32),
        pltpu.SemaphoreType.DMA,
    ],
)
def _deg_kernel(dst_hbm, zeros_hbm, ones_hbm, out0, out1, deg_sh, idx_l,
                ones_l, sem):
    c = lax.axis_index("c")
    s = lax.axis_index("s")
    w = c * _NS + s

    @pl.when(s == 0)
    def _():
        pltpu.sync_copy(zeros_hbm, deg_sh)

    pltpu.sync_copy(ones_hbm, ones_l)
    pltpu.sync_copy(dst_hbm.at[pl.ds(w * _G, _G)], idx_l)
    plsc.subcore_barrier()

    def fire(j, carry):
        g = j // _IB
        r = j - g * _IB
        pltpu.async_copy(ones_l, deg_sh.at[idx_l.at[g, r]], sem, add=True)
        return carry

    lax.fori_loop(0, _CPW, fire, 0)

    def drain(j, carry):
        pltpu.make_async_copy(ones_l, deg_sh.at[pl.ds(0, _CHUNK)],
                              sem).wait()
        return carry

    lax.fori_loop(0, _CPW, drain, 0)
    plsc.subcore_barrier()

    @pl.when((s == 0) & (c == 0))
    def _():
        pltpu.sync_copy(deg_sh, out0)

    @pl.when((s == 0) & (c == 1))
    def _():
        pltpu.sync_copy(deg_sh, out1)


def _deg(dst_r):
    zeros = jnp.zeros((_N,), jnp.float32)
    ones = jnp.ones((_CHUNK,), jnp.float32)
    d0, d1 = _deg_kernel(dst_r, zeros, ones)
    return jnp.stack([d0, d1], axis=1)


@functools.partial(
    pl.kernel,
    out_type=[
        jax.ShapeDtypeStruct((_N, _D), jnp.float32),
        jax.ShapeDtypeStruct((_N, _D), jnp.float32),
    ],
    mesh=_mesh,
    scratch_types=[
        pltpu.VMEM_SHARED((_N, _D), jnp.float32),
        pltpu.VMEM((_IB, _CHUNK), jnp.int32),
        pltpu.VMEM((_IB, _CHUNK), jnp.int32),
        pltpu.VMEM((_CHUNK, _D), jnp.float32),
        pltpu.VMEM((_CHUNK, _D), jnp.float32),
        pltpu.VMEM((_CHUNK, _D), jnp.float32),
        pltpu.SemaphoreType.DMA,
        pltpu.SemaphoreType.DMA,
        pltpu.SemaphoreType.DMA,
        pltpu.SemaphoreType.DMA,
        pltpu.SemaphoreType.DMA,
        pltpu.SemaphoreType.DMA,
    ],
)
def _scatter_kernel(y_hbm, src_hbm, dstidx_hbm, zeros_hbm, out0, out1,
                    acc_sh, src_l, dst_l, buf0, buf1, buf2,
                    sg0, sg1, sg2, ss0, ss1, ss2):
    c = lax.axis_index("c")
    s = lax.axis_index("s")
    w = c * _NS + s

    def zero(off, sz):
        pltpu.sync_copy(zeros_hbm.at[pl.ds(0, sz)],
                        acc_sh.at[pl.ds(off, sz)])

    _row_split(s, zero)
    plsc.subcore_barrier()

    def st_g(j, buf, sem):
        pltpu.async_copy(y_hbm.at[src_l.at[j]], buf, sem)

    def st_s(j, buf, sem):
        pltpu.async_copy(buf, acc_sh.at[dst_l.at[j]], sem, add=True)

    def w_g(buf, sem):
        pltpu.make_async_copy(y_hbm.at[pl.ds(0, _CHUNK)], buf, sem).wait()

    def w_s(buf, sem):
        pltpu.make_async_copy(buf, acc_sh.at[pl.ds(0, _CHUNK)], sem).wait()

    def group(g, carry):
        pltpu.sync_copy(src_hbm.at[w * _G + g], src_l)
        pltpu.sync_copy(dstidx_hbm.at[w * _G + g], dst_l)
        st_g(0, buf0, sg0)
        st_g(1, buf1, sg1)
        w_g(buf0, sg0); st_s(0, buf0, ss0); st_g(2, buf2, sg2)

        def tri(i, carry2):
            j = 3 * i
            w_g(buf1, sg1); st_s(j + 1, buf1, ss1)
            w_s(buf0, ss0); st_g(j + 3, buf0, sg0)
            w_g(buf2, sg2); st_s(j + 2, buf2, ss2)
            w_s(buf1, ss1); st_g(j + 4, buf1, sg1)
            w_g(buf0, sg0); st_s(j + 3, buf0, ss0)
            w_s(buf2, ss2); st_g(j + 5, buf2, sg2)
            return carry2

        lax.fori_loop(0, 7, tri, 0)
        w_g(buf1, sg1); st_s(22, buf1, ss1)
        w_s(buf0, ss0); st_g(24, buf0, sg0)
        w_g(buf2, sg2); st_s(23, buf2, ss2)
        w_g(buf0, sg0); st_s(24, buf0, ss0)
        w_s(buf1, ss1); w_s(buf2, ss2); w_s(buf0, ss0)
        return carry

    lax.fori_loop(0, _G, group, 0)
    plsc.subcore_barrier()

    def wb(off, sz):
        @pl.when(c == 0)
        def _():
            pltpu.sync_copy(acc_sh.at[pl.ds(off, sz)], out0.at[pl.ds(off, sz)])

        @pl.when(c == 1)
        def _():
            pltpu.sync_copy(acc_sh.at[pl.ds(off, sz)], out1.at[pl.ds(off, sz)])

    _row_split(s, wb)


def _scatter(y, src_r, dst_r):
    zeros = jnp.zeros((_RB, _D), jnp.float32)
    return _scatter_kernel(y, src_r, dst_r, zeros)


_BLK = 1024
_GRID = (_N + _BLK - 1) // _BLK


def _mm_body(x_ref, w_ref, xw_ref):
    xw_ref[...] = jnp.dot(x_ref[...], w_ref[...],
                          preferred_element_type=jnp.float32)


def _mm(x, W):
    return pl.pallas_call(
        _mm_body,
        grid=(_GRID,),
        in_specs=[
            pl.BlockSpec((_BLK, _D), lambda i: (i, 0)),
            pl.BlockSpec((_D, _D), lambda i: (0, 0)),
        ],
        out_specs=pl.BlockSpec((_BLK, _D), lambda i: (i, 0)),
        out_shape=jax.ShapeDtypeStruct((_N, _D), jnp.float32),
    )(x, W)


def _scale_body(xw_ref, degp_ref, y_ref, dis_ref):
    deg = degp_ref[:, 0:1] + degp_ref[:, 1:2] + 1.0
    dis = lax.rsqrt(deg)
    y_ref[...] = xw_ref[...] * dis
    dis_ref[...] = dis


def _scale(xw, degp_t):
    return pl.pallas_call(
        _scale_body,
        grid=(_GRID,),
        in_specs=[
            pl.BlockSpec((_BLK, _D), lambda i: (i, 0)),
            pl.BlockSpec((_BLK, _NC), lambda i: (i, 0)),
        ],
        out_specs=[
            pl.BlockSpec((_BLK, _D), lambda i: (i, 0)),
            pl.BlockSpec((_BLK, 1), lambda i: (i, 0)),
        ],
        out_shape=[
            jax.ShapeDtypeStruct((_N, _D), jnp.float32),
            jax.ShapeDtypeStruct((_N, 1), jnp.float32),
        ],
    )(xw, degp_t)


def _post_body(acc0_ref, acc1_ref, y_ref, dis_ref, b_ref, g_ref, bt_ref,
               o_ref, t_sc, s_sc):
    i = pl.program_id(0)

    @pl.when(i == 0)
    def _():
        s_sc[...] = jnp.zeros((2, _D), jnp.float32)

    @pl.when(i < _GRID)
    def _():
        a = acc0_ref[...] + acc1_ref[...] + y_ref[...]
        pre = a * dis_ref[...] + b_ref[...]
        t = jnp.where(pre > 0, pre, 0.01 * pre)
        rows = i * _BLK + lax.broadcasted_iota(jnp.int32, (_BLK, _D), 0)
        t = jnp.where(rows < _N, t, 0.0)
        t_sc[pl.ds(pl.multiple_of(i * _BLK, _BLK), _BLK), :] = t
        s_sc[0:1, :] += jnp.sum(t, axis=0, keepdims=True)
        s_sc[1:2, :] += jnp.sum(t * t, axis=0, keepdims=True)

    @pl.when(i >= _GRID)
    def _():
        k = i - _GRID
        inv_n = 1.0 / _N
        mean = s_sc[0:1, :] * inv_n
        var = s_sc[1:2, :] * inv_n - mean * mean
        inv = lax.rsqrt(var + 1e-5)
        t = t_sc[pl.ds(pl.multiple_of(k * _BLK, _BLK), _BLK), :]
        o_ref[...] = (t - mean) * (inv * g_ref[...]) + bt_ref[...]


def _post(acc0, acc1, y, dis, b, gamma, beta):
    ng = _GRID - 1
    return pl.pallas_call(
        _post_body,
        grid=(2 * _GRID,),
        in_specs=[
            pl.BlockSpec((_BLK, _D), lambda i: (jnp.minimum(i, ng), 0)),
            pl.BlockSpec((_BLK, _D), lambda i: (jnp.minimum(i, ng), 0)),
            pl.BlockSpec((_BLK, _D), lambda i: (jnp.minimum(i, ng), 0)),
            pl.BlockSpec((_BLK, 1), lambda i: (jnp.minimum(i, ng), 0)),
            pl.BlockSpec((1, _D), lambda i: (0, 0)),
            pl.BlockSpec((1, _D), lambda i: (0, 0)),
            pl.BlockSpec((1, _D), lambda i: (0, 0)),
        ],
        out_specs=pl.BlockSpec(
            (_BLK, _D), lambda i: (jnp.maximum(i - _GRID, 0), 0)),
        out_shape=jax.ShapeDtypeStruct((_N, _D), jnp.float32),
        scratch_shapes=[
            pltpu.VMEM((_GRID * _BLK, _D), jnp.float32),
            pltpu.VMEM((2, _D), jnp.float32),
        ],
    )(acc0, acc1, y, dis, b, gamma, beta)


def kernel(x, edge_index, W, b, gamma, beta):
    src_r = edge_index[0].reshape(_NW * _G, _IB, _CHUNK)
    dst_r = edge_index[1].reshape(_NW * _G, _IB, _CHUNK)

    degp = _deg(dst_r)
    xw = _mm(x, W)
    y, dis = _scale(xw, degp)
    acc0, acc1 = _scatter(y, src_r, dst_r)
    return _post(acc0, acc1, y, dis, b.reshape(1, _D),
                 gamma.reshape(1, _D), beta.reshape(1, _D))

# --- scband reference (transcript-rebuilt; emitter-appended) ---
"""Pipeline reference for scband-brain-block-79602923864555 (READ-ONLY COPY).

The authoritative reference and input builder live on the scoring server;
editing this copy changes nothing except your own understanding.
"""

import jax, jax.numpy as jnp
import numpy as np

N = 10000
E = 320000
D_IN = 128
D_OUT = 128


def setup_inputs(seed: int = 0) -> dict:
    key = jax.random.key(seed)
    k1, k2, k3 = jax.random.split(key, 3)
    x = jax.random.normal(k1, (N, D_IN), dtype=jnp.float32)
    edge_index = jax.random.randint(k2, (2, E), 0, N, dtype=jnp.int32)
    # GCNConv weight: glorot uniform init, shape [in, out]
    limit = float(np.sqrt(6.0 / (D_IN + D_OUT)))
    W = jax.random.uniform(k3, (D_IN, D_OUT), minval=-limit, maxval=limit, dtype=jnp.float32)
    b = jnp.zeros((D_OUT,), dtype=jnp.float32)
    # BatchNorm affine params (init: gamma=1, beta=0)
    gamma = jnp.ones((D_OUT,), dtype=jnp.float32)
    beta = jnp.zeros((D_OUT,), dtype=jnp.float32)
    return {"x": x, "edge_index": edge_index, "W": W, "b": b, "gamma": gamma, "beta": beta}


def reference(x, edge_index, W, b, gamma, beta):
    # GCNConv (add_self_loops=True, normalize=True)
    xw = x @ W
    src = edge_index[0]
    dst = edge_index[1]
    loop = jnp.arange(N, dtype=edge_index.dtype)
    src = jnp.concatenate([src, loop])
    dst = jnp.concatenate([dst, loop])
    # symmetric normalization: deg computed on target nodes with unit edge weights
    deg = jnp.zeros((N,), dtype=x.dtype).at[dst].add(1.0)
    dis = jnp.where(deg > 0, jax.lax.rsqrt(deg), 0.0)
    norm = dis[src] * dis[dst]
    msg = xw[src] * norm[:, None]
    out = jnp.zeros((N, D_OUT), dtype=x.dtype).at[dst].add(msg)
    out = out + b
    # LeakyReLU (default negative_slope=0.01)
    out = jnp.where(out > 0, out, 0.01 * out)
    # BatchNorm over node dimension (training-mode batch statistics, biased var)
    mean = out.mean(axis=0)
    var = out.var(axis=0)
    out = (out - mean) / jnp.sqrt(var + 1e-5) * gamma + beta
    # Dropout treated as identity (eval mode / deterministic reference)
    return out

if __name__ == "__main__":
    import jax
    _d = setup_inputs()
    print(jax.jit(kernel)(*tuple(_d.values())))

</pallas_src>

<mosaic_0001>
#map = affine_map<(d0, d1) -> (0, 0)>
#map1 = affine_map<(d0, d1) -> (0, 0, 0)>
module attributes {stable_mosaic.version = 14 : i64} {
  func.func @_scatter_kernel(%arg0: i32, %arg1: i32, %arg2: memref<10000x128xf32, #tpu.memory_space<hbm>>, %arg3: memref<160x25x80xi32, #tpu.memory_space<hbm>>, %arg4: memref<160x25x80xi32, #tpu.memory_space<hbm>>, %arg5: memref<640x128xf32, #tpu.memory_space<hbm>>, %arg6: memref<10000x128xf32, #tpu.memory_space<hbm>>, %arg7: memref<10000x128xf32, #tpu.memory_space<hbm>>, %arg8: memref<10000x128xf32, #tpu.memory_space<vmem_shared>>, %arg9: memref<25x80xi32, #tpu.memory_space<vmem>>, %arg10: memref<25x80xi32, #tpu.memory_space<vmem>>, %arg11: memref<80x128xf32, #tpu.memory_space<vmem>>, %arg12: memref<80x128xf32, #tpu.memory_space<vmem>>, %arg13: memref<80x128xf32, #tpu.memory_space<vmem>>, %arg14: memref<!tpu.dma_semaphore, #tpu.memory_space<semaphore_mem>>, %arg15: memref<!tpu.dma_semaphore, #tpu.memory_space<semaphore_mem>>, %arg16: memref<!tpu.dma_semaphore, #tpu.memory_space<semaphore_mem>>, %arg17: memref<!tpu.dma_semaphore, #tpu.memory_space<semaphore_mem>>, %arg18: memref<!tpu.dma_semaphore, #tpu.memory_space<semaphore_mem>>, %arg19: memref<!tpu.dma_semaphore, #tpu.memory_space<semaphore_mem>>) attributes {dimension_semantics = [#tpu.dimension_semantics<core_parallel>, #tpu.dimension_semantics<subcore_parallel>], iteration_bounds = array<i64: 2, 16>, scalar_prefetch = 0 : i64, scratch_operands = 12 : i64, tpu.core_type = #tpu.core_type<sc_vector_subcore>, window_params = [{transform_indices = #map}, {transform_indices = #map1}, {transform_indices = #map1}, {transform_indices = #map}, {transform_indices = #map}, {transform_indices = #map}]} {
    %mul3A = arith.constant 16 : i32
    %mul3A_0 = arith.muli %arg0, %mul3A : i32
    %add3A = arith.addi %mul3A_0, %arg1 : i32
    %lt3A = arith.constant 15 : i32
    %lt3A_1 = arith.cmpi slt, %arg1, %lt3A : i32
    %convert_element_type3A = arith.extui %lt3A_1 : i1 to i32
    %cond3A = arith.constant 0 : i32
    %cond3A_2 = arith.cmpi ne, %convert_element_type3A, %cond3A : i32
    scf.if %cond3A_2 {
      %mul3A_23 = arith.constant 640 : i32
      %mul3A_24 = arith.muli %arg1, %mul3A_23 : i32
      %multiple_of3A = tpu.assume_multiple %mul3A_24, 640 : i32
      "tpu.region"() ({
        %run_scoped3A = tpu.sem_alloc : memref<!tpu.dma_semaphore, #tpu.memory_space<semaphore_mem>>
        %dma_start3A = arith.constant 0 : i32
        %dma_start3A_25 = tpu.memref_slice %arg8[%multiple_of3A, %dma_start3A] : memref<10000x128xf32, #tpu.memory_space<vmem_shared>> -> memref<640x128xf32, #tpu.memory_space<vmem_shared>>
        %dma_start3A_26 = arith.constant 0 : i32
        %dma_start3A_27 = arith.constant 0 : i32
        %dma_start3A_28 = tpu.memref_slice %arg5[%dma_start3A_26, %dma_start3A_27] : memref<640x128xf32, #tpu.memory_space<hbm>> -> memref<640x128xf32, #tpu.memory_space<hbm>>
        tpu.enqueue_dma source(%dma_start3A_28 : memref<640x128xf32, #tpu.memory_space<hbm>>) target(%dma_start3A_25 : memref<640x128xf32, #tpu.memory_space<vmem_shared>>) target_semaphore(%run_scoped3A : memref<!tpu.dma_semaphore, #tpu.memory_space<semaphore_mem>>)
        %dma_wait3A = arith.constant 0 : i32
        %dma_wait3A_29 = tpu.memref_slice %arg8[%multiple_of3A, %dma_wait3A] : memref<10000x128xf32, #tpu.memory_space<vmem_shared>> -> memref<640x128xf32, #tpu.memory_space<vmem_shared>>
        %dma_wait3A_30 = arith.constant 0 : i32
        %dma_wait3A_31 = arith.constant 0 : i32
        %dma_wait3A_32 = tpu.memref_slice %arg5[%dma_wait3A_30, %dma_wait3A_31] : memref<640x128xf32, #tpu.memory_space<hbm>> -> memref<640x128xf32, #tpu.memory_space<hbm>>
        tpu.wait_dma2 semaphore(%run_scoped3A : memref<!tpu.dma_semaphore, #tpu.memory_space<semaphore_mem>>) src(%dma_wait3A_32 : memref<640x128xf32, #tpu.memory_space<hbm>>) dst(%dma_wait3A_29 : memref<640x128xf32, #tpu.memory_space<vmem_shared>>)
        tpu.yield
      }) : () -> ()
    } else {
    }
    %eq3A = arith.constant 15 : i32
    %eq3A_3 = arith.cmpi eq, %arg1, %eq3A : i32
    %convert_element_type3A_4 = arith.extui %eq3A_3 : i1 to i32
    %cond3A_5 = arith.constant 0 : i32
    %cond3A_6 = arith.cmpi ne, %convert_element_type3A_4, %cond3A_5 : i32
    scf.if %cond3A_6 {
      "tpu.region"() ({
        %run_scoped3A = tpu.sem_alloc : memref<!tpu.dma_semaphore, #tpu.memory_space<semaphore_mem>>
        %dma_start3A = arith.constant 9600 : i32
        %dma_start3A_23 = arith.constant 0 : i32
        %dma_start3A_24 = tpu.memref_slice %arg8[%dma_start3A, %dma_start3A_23] : memref<10000x128xf32, #tpu.memory_space<vmem_shared>> -> memref<400x128xf32, #tpu.memory_space<vmem_shared>>
        %dma_start3A_25 = arith.constant 0 : i32
        %dma_start3A_26 = arith.constant 0 : i32
        %dma_start3A_27 = tpu.memref_slice %arg5[%dma_start3A_25, %dma_start3A_26] : memref<640x128xf32, #tpu.memory_space<hbm>> -> memref<400x128xf32, #tpu.memory_space<hbm>>
        tpu.enqueue_dma source(%dma_start3A_27 : memref<400x128xf32, #tpu.memory_space<hbm>>) target(%dma_start3A_24 : memref<400x128xf32, #tpu.memory_space<vmem_shared>>) target_semaphore(%run_scoped3A : memref<!tpu.dma_semaphore, #tpu.memory_space<semaphore_mem>>)
        %dma_wait3A = arith.constant 9600 : i32
        %dma_wait3A_28 = arith.constant 0 : i32
        %dma_wait3A_29 = tpu.memref_slice %arg8[%dma_wait3A, %dma_wait3A_28] : memref<10000x128xf32, #tpu.memory_space<vmem_shared>> -> memref<400x128xf32, #tpu.memory_space<vmem_shared>>
        %dma_wait3A_30 = arith.constant 0 : i32
        %dma_wait3A_31 = arith.constant 0 : i32
        %dma_wait3A_32 = tpu.memref_slice %arg5[%dma_wait3A_30, %dma_wait3A_31] : memref<640x128xf32, #tpu.memory_space<hbm>> -> memref<400x128xf32, #tpu.memory_space<hbm>>
        tpu.wait_dma2 semaphore(%run_scoped3A : memref<!tpu.dma_semaphore, #tpu.memory_space<semaphore_mem>>) src(%dma_wait3A_32 : memref<400x128xf32, #tpu.memory_space<hbm>>) dst(%dma_wait3A_29 : memref<400x128xf32, #tpu.memory_space<vmem_shared>>)
        tpu.yield
      }) : () -> ()
    } else {
    }
    %barrier3A = arith.constant 0 : index
    tpu.barrier barrier_id(%barrier3A)
    %scan3A = arith.constant 0 : i32
    %scan3A_7 = arith.constant 0 : i32
    %scan3A_8 = arith.constant 5 : i32
    %scan3A_9 = arith.addi %scan3A_7, %scan3A_8 : i32
    %scan3A_10 = arith.constant 1 : i32
    scf.for %scan3A_23 = %scan3A_7 to %scan3A_9 step %scan3A_10  : i32 {
      %mul3A_24 = arith.constant 5 : i32
      %mul3A_25 = arith.muli %add3A, %mul3A_24 : i32
      %add3A_26 = arith.addi %mul3A_25, %scan3A_23 : i32
      "tpu.region"() ({
        %run_scoped3A = tpu.sem_alloc : memref<!tpu.dma_semaphore, #tpu.memory_space<semaphore_mem>>
        %dma_start3A_138 = arith.constant 0 : i32
        %dma_start3A_139 = arith.constant 0 : i32
        %dma_start3A_140 = tpu.memref_slice %arg3[%add3A_26, %dma_start3A_138, %dma_start3A_139] : memref<160x25x80xi32, #tpu.memory_space<hbm>> -> memref<1x25x80xi32, #tpu.memory_space<hbm>>
        %dma_start3A_141 = tpu.memref_squeeze %dma_start3A_140 : memref<1x25x80xi32, #tpu.memory_space<hbm>> -> memref<25x80xi32, #tpu.memory_space<hbm>>
        %dma_start3A_142 = arith.constant 0 : i32
        %dma_start3A_143 = arith.constant 0 : i32
        %dma_start3A_144 = tpu.memref_slice %arg3[%add3A_26, %dma_start3A_142, %dma_start3A_143] : memref<160x25x80xi32, #tpu.memory_space<hbm>> -> memref<1x25x80xi32, #tpu.memory_space<hbm>>
        %dma_start3A_145 = tpu.memref_squeeze %dma_start3A_144 : memref<1x25x80xi32, #tpu.memory_space<hbm>> -> memref<25x80xi32, #tpu.memory_space<hbm>>
        tpu.enqueue_dma source(%dma_start3A_145 : memref<25x80xi32, #tpu.memory_space<hbm>>) target(%arg9 : memref<25x80xi32, #tpu.memory_space<vmem>>) target_semaphore(%run_scoped3A : memref<!tpu.dma_semaphore, #tpu.memory_space<semaphore_mem>>)
        %dma_wait3A_146 = arith.constant 0 : i32
        %dma_wait3A_147 = arith.constant 0 : i32
        %dma_wait3A_148 = tpu.memref_slice %arg3[%add3A_26, %dma_wait3A_146, %dma_wait3A_147] : memref<160x25x80xi32, #tpu.memory_space<hbm>> -> memref<1x25x80xi32, #tpu.memory_space<hbm>>
        %dma_wait3A_149 = tpu.memref_squeeze %dma_wait3A_148 : memref<1x25x80xi32, #tpu.memory_space<hbm>> -> memref<25x80xi32, #tpu.memory_space<hbm>>
        %dma_wait3A_150 = arith.constant 0 : i32
        %dma_wait3A_151 = arith.constant 0 : i32
        %dma_wait3A_152 = tpu.memref_slice %arg3[%add3A_26, %dma_wait3A_150, %dma_wait3A_151] : memref<160x25x80xi32, #tpu.memory_space<hbm>> -> memref<1x25x80xi32, #tpu.memory_space<hbm>>
        %dma_wait3A_153 = tpu.memref_squeeze %dma_wait3A_152 : memref<1x25x80xi32, #tpu.memory_space<hbm>> -> memref<25x80xi32, #tpu.memory_space<hbm>>
        tpu.wait_dma2 semaphore(%run_scoped3A : memref<!tpu.dma_semaphore, #tpu.memory_space<semaphore_mem>>) src(%dma_wait3A_153 : memref<25x80xi32, #tpu.memory_space<hbm>>) dst(%arg9 : memref<25x80xi32, #tpu.memory_space<vmem>>)
        tpu.yield
      }) : () -> ()
      %mul3A_27 = arith.constant 5 : i32
      %mul3A_28 = arith.muli %add3A, %mul3A_27 : i32
      %add3A_29 = arith.addi %mul3A_28, %scan3A_23 : i32
      "tpu.region"() ({
        %run_scoped3A = tpu.sem_alloc : memref<!tpu.dma_semaphore, #tpu.memory_space<semaphore_mem>>
        %dma_start3A_138 = arith.constant 0 : i32
        %dma_start3A_139 = arith.constant 0 : i32
        %dma_start3A_140 = tpu.memref_slice %arg4[%add3A_29, %dma_start3A_138, %dma_start3A_139] : memref<160x25x80xi32, #tpu.memory_space<hbm>> -> memref<1x25x80xi32, #tpu.memory_space<hbm>>
        %dma_start3A_141 = tpu.memref_squeeze %dma_start3A_140 : memref<1x25x80xi32, #tpu.memory_space<hbm>> -> memref<25x80xi32, #tpu.memory_space<hbm>>
        %dma_start3A_142 = arith.constant 0 : i32
        %dma_start3A_143 = arith.constant 0 : i32
        %dma_start3A_144 = tpu.memref_slice %arg4[%add3A_29, %dma_start3A_142, %dma_start3A_143] : memref<160x25x80xi32, #tpu.memory_space<hbm>> -> memref<1x25x80xi32, #tpu.memory_space<hbm>>
        %dma_start3A_145 = tpu.memref_squeeze %dma_start3A_144 : memref<1x25x80xi32, #tpu.memory_space<hbm>> -> memref<25x80xi32, #tpu.memory_space<hbm>>
        tpu.enqueue_dma source(%dma_start3A_145 : memref<25x80xi32, #tpu.memory_space<hbm>>) target(%arg10 : memref<25x80xi32, #tpu.memory_space<vmem>>) target_semaphore(%run_scoped3A : memref<!tpu.dma_semaphore, #tpu.memory_space<semaphore_mem>>)
        %dma_wait3A_146 = arith.constant 0 : i32
        %dma_wait3A_147 = arith.constant 0 : i32
        %dma_wait3A_148 = tpu.memref_slice %arg4[%add3A_29, %dma_wait3A_146, %dma_wait3A_147] : memref<160x25x80xi32, #tpu.memory_space<hbm>> -> memref<1x25x80xi32, #tpu.memory_space<hbm>>
        %dma_wait3A_149 = tpu.memref_squeeze %dma_wait3A_148 : memref<1x25x80xi32, #tpu.memory_space<hbm>> -> memref<25x80xi32, #tpu.memory_space<hbm>>
        %dma_wait3A_150 = arith.constant 0 : i32
        %dma_wait3A_151 = arith.constant 0 : i32
        %dma_wait3A_152 = tpu.memref_slice %arg4[%add3A_29, %dma_wait3A_150, %dma_wait3A_151] : memref<160x25x80xi32, #tpu.memory_space<hbm>> -> memref<1x25x80xi32, #tpu.memory_space<hbm>>
        %dma_wait3A_153 = tpu.memref_squeeze %dma_wait3A_152 : memref<1x25x80xi32, #tpu.memory_space<hbm>> -> memref<25x80xi32, #tpu.memory_space<hbm>>
        tpu.wait_dma2 semaphore(%run_scoped3A : memref<!tpu.dma_semaphore, #tpu.memory_space<semaphore_mem>>) src(%dma_wait3A_153 : memref<25x80xi32, #tpu.memory_space<hbm>>) dst(%arg10 : memref<25x80xi32, #tpu.memory_space<vmem>>)
        tpu.yield
      }) : () -> ()
      %dma_start3A = arith.constant 0 : i32
      %dma_start3A_30 = arith.constant 0 : i32
      %dma_start3A_31 = tpu.memref_slice %arg9[%dma_start3A, %dma_start3A_30] : memref<25x80xi32, #tpu.memory_space<vmem>> -> memref<1x80xi32, #tpu.memory_space<vmem>>
      %dma_start3A_32 = tpu.memref_squeeze %dma_start3A_31 : memref<1x80xi32, #tpu.memory_space<vmem>> -> memref<80xi32, #tpu.memory_space<vmem>>
      %dma_start3A_33 = arith.constant 0 : i32
      %dma_start3A_34 = arith.constant 0 : i32
      %dma_start3A_35 = tpu.memref_slice %arg2[%dma_start3A_33, %dma_start3A_34] : memref<10000x128xf32, #tpu.memory_space<hbm>> -> memref<10000x128xf32, #tpu.memory_space<hbm>>
      tpu.enqueue_indirect_dma source(%dma_start3A_35 : memref<10000x128xf32, #tpu.memory_space<hbm>>) target(%arg11 : memref<80x128xf32, #tpu.memory_space<vmem>>) offsets(%dma_start3A_32 : memref<80xi32, #tpu.memory_space<vmem>>) semaphore(%arg14 : memref<!tpu.dma_semaphore, #tpu.memory_space<semaphore_mem>>)
      %dma_start3A_36 = arith.constant 1 : i32
      %dma_start3A_37 = arith.constant 0 : i32
      %dma_start3A_38 = tpu.memref_slice %arg9[%dma_start3A_36, %dma_start3A_37] : memref<25x80xi32, #tpu.memory_space<vmem>> -> memref<1x80xi32, #tpu.memory_space<vmem>>
      %dma_start3A_39 = tpu.memref_squeeze %dma_start3A_38 : memref<1x80xi32, #tpu.memory_space<vmem>> -> memref<80xi32, #tpu.memory_space<vmem>>
      %dma_start3A_40 = arith.constant 0 : i32
      %dma_start3A_41 = arith.constant 0 : i32
      %dma_start3A_42 = tpu.memref_slice %arg2[%dma_start3A_40, %dma_start3A_41] : memref<10000x128xf32, #tpu.memory_space<hbm>> -> memref<10000x128xf32, #tpu.memory_space<hbm>>
      tpu.enqueue_indirect_dma source(%dma_start3A_42 : memref<10000x128xf32, #tpu.memory_space<hbm>>) target(%arg12 : memref<80x128xf32, #tpu.memory_space<vmem>>) offsets(%dma_start3A_39 : memref<80xi32, #tpu.memory_space<vmem>>) semaphore(%arg15 : memref<!tpu.dma_semaphore, #tpu.memory_space<semaphore_mem>>)
      %dma_wait3A = arith.constant 0 : i32
      %dma_wait3A_43 = arith.constant 0 : i32
      %dma_wait3A_44 = tpu.memref_slice %arg2[%dma_wait3A, %dma_wait3A_43] : memref<10000x128xf32, #tpu.memory_space<hbm>> -> memref<80x128xf32, #tpu.memory_space<hbm>>
      %dma_wait3A_45 = arith.constant 0 : i32
      %dma_wait3A_46 = arith.constant 0 : i32
      %dma_wait3A_47 = tpu.memref_slice %arg2[%dma_wait3A_45, %dma_wait3A_46] : memref<10000x128xf32, #tpu.memory_space<hbm>> -> memref<80x128xf32, #tpu.memory_space<hbm>>
      tpu.wait_dma2 semaphore(%arg14 : memref<!tpu.dma_semaphore, #tpu.memory_space<semaphore_mem>>) src(%dma_wait3A_47 : memref<80x128xf32, #tpu.memory_space<hbm>>) dst(%arg11 : memref<80x128xf32, #tpu.memory_space<vmem>>)
      %dma_start3A_48 = arith.constant 0 : i32
      %dma_start3A_49 = arith.constant 0 : i32
      %dma_start3A_50 = tpu.memref_slice %arg10[%dma_start3A_48, %dma_start3A_49] : memref<25x80xi32, #tpu.memory_space<vmem>> -> memref<1x80xi32, #tpu.memory_space<vmem>>
      %dma_start3A_51 = tpu.memref_squeeze %dma_start3A_50 : memref<1x80xi32, #tpu.memory_space<vmem>> -> memref<80xi32, #tpu.memory_space<vmem>>
      %dma_start3A_52 = arith.constant 0 : i32
      %dma_start3A_53 = arith.constant 0 : i32
      %dma_start3A_54 = tpu.memref_slice %arg8[%dma_start3A_52, %dma_start3A_53] : memref<10000x128xf32, #tpu.memory_space<vmem_shared>> -> memref<10000x128xf32, #tpu.memory_space<vmem_shared>>
      tpu.enqueue_indirect_dma source(%arg11 : memref<80x128xf32, #tpu.memory_space<vmem>>) target(%dma_start3A_54 : memref<10000x128xf32, #tpu.memory_space<vmem_shared>>) offsets(%dma_start3A_51 : memref<80xi32, #tpu.memory_space<vmem>>) semaphore(%arg17 : memref<!tpu.dma_semaphore, #tpu.memory_space<semaphore_mem>>) {add = true}
      %dma_start3A_55 = arith.constant 2 : i32
      %dma_start3A_56 = arith.constant 0 : i32
      %dma_start3A_57 = tpu.memref_slice %arg9[%dma_start3A_55, %dma_start3A_56] : memref<25x80xi32, #tpu.memory_space<vmem>> -> memref<1x80xi32, #tpu.memory_space<vmem>>
      %dma_start3A_58 = tpu.memref_squeeze %dma_start3A_57 : memref<1x80xi32, #tpu.memory_space<vmem>> -> memref<80xi32, #tpu.memory_space<vmem>>
      %dma_start3A_59 = arith.constant 0 : i32
      %dma_start3A_60 = arith.constant 0 : i32
      %dma_start3A_61 = tpu.memref_slice %arg2[%dma_start3A_59, %dma_start3A_60] : memref<10000x128xf32, #tpu.memory_space<hbm>> -> memref<10000x128xf32, #tpu.memory_space<hbm>>
      tpu.enqueue_indirect_dma source(%dma_start3A_61 : memref<10000x128xf32, #tpu.memory_space<hbm>>) target(%arg13 : memref<80x128xf32, #tpu.memory_space<vmem>>) offsets(%dma_start3A_58 : memref<80xi32, #tpu.memory_space<vmem>>) semaphore(%arg16 : memref<!tpu.dma_semaphore, #tpu.memory_space<semaphore_mem>>)
      %scan3A_62 = arith.constant 0 : i32
      %scan3A_63 = arith.constant 0 : i32
      %scan3A_64 = arith.constant 7 : i32
      %scan3A_65 = arith.addi %scan3A_63, %scan3A_64 : i32
      %scan3A_66 = arith.constant 1 : i32
      scf.for %scan3A_138 = %scan3A_63 to %scan3A_65 step %scan3A_66  : i32 {
        %mul3A_139 = arith.constant 3 : i32
        %mul3A_140 = arith.muli %mul3A_139, %scan3A_138 : i32
        %dma_wait3A_141 = arith.constant 0 : i32
        %dma_wait3A_142 = arith.constant 0 : i32
        %dma_wait3A_143 = tpu.memref_slice %arg2[%dma_wait3A_141, %dma_wait3A_142] : memref<10000x128xf32, #tpu.memory_space<hbm>> -> memref<80x128xf32, #tpu.memory_space<hbm>>
        %dma_wait3A_144 = arith.constant 0 : i32
        %dma_wait3A_145 = arith.constant 0 : i32
        %dma_wait3A_146 = tpu.memref_slice %arg2[%dma_wait3A_144, %dma_wait3A_145] : memref<10000x128xf32, #tpu.memory_space<hbm>> -> memref<80x128xf32, #tpu.memory_space<hbm>>
        tpu.wait_dma2 semaphore(%arg15 : memref<!tpu.dma_semaphore, #tpu.memory_space<semaphore_mem>>) src(%dma_wait3A_146 : memref<80x128xf32, #tpu.memory_space<hbm>>) dst(%arg12 : memref<80x128xf32, #tpu.memory_space<vmem>>)
        %add3A_147 = arith.constant 1 : i32
        %add3A_148 = arith.addi %mul3A_140, %add3A_147 : i32
        %dma_start3A_149 = arith.constant 0 : i32
        %dma_start3A_150 = tpu.memref_slice %arg10[%add3A_148, %dma_start3A_149] : memref<25x80xi32, #tpu.memory_space<vmem>> -> memref<1x80xi32, #tpu.memory_space<vmem>>
        %dma_start3A_151 = tpu.memref_squeeze %dma_start3A_150 : memref<1x80xi32, #tpu.memory_space<vmem>> -> memref<80xi32, #tpu.memory_space<vmem>>
        %dma_start3A_152 = arith.constant 0 : i32
        %dma_start3A_153 = arith.constant 0 : i32
        %dma_start3A_154 = tpu.memref_slice %arg8[%dma_start3A_152, %dma_start3A_153] : memref<10000x128xf32, #tpu.memory_space<vmem_shared>> -> memref<10000x128xf32, #tpu.memory_space<vmem_shared>>
        tpu.enqueue_indirect_dma source(%arg12 : memref<80x128xf32, #tpu.memory_space<vmem>>) target(%dma_start3A_154 : memref<10000x128xf32, #tpu.memory_space<vmem_shared>>) offsets(%dma_start3A_151 : memref<80xi32, #tpu.memory_space<vmem>>) semaphore(%arg18 : memref<!tpu.dma_semaphore, #tpu.memory_space<semaphore_mem>>) {add = true}
        %dma_wait3A_155 = arith.constant 0 : i32
        %dma_wait3A_156 = arith.constant 0 : i32
        %dma_wait3A_157 = tpu.memref_slice %arg8[%dma_wait3A_155, %dma_wait3A_156] : memref<10000x128xf32, #tpu.memory_space<vmem_shared>> -> memref<80x128xf32, #tpu.memory_space<vmem_shared>>
        %dma_wait3A_158 = arith.constant 0 : i32
        %dma_wait3A_159 = arith.constant 0 : i32
        %dma_wait3A_160 = tpu.memref_slice %arg8[%dma_wait3A_158, %dma_wait3A_159] : memref<10000x128xf32, #tpu.memory_space<vmem_shared>> -> memref<80x128xf32, #tpu.memory_space<vmem_shared>>
        tpu.wait_dma2 semaphore(%arg17 : memref<!tpu.dma_semaphore, #tpu.memory_space<semaphore_mem>>) src(%arg11 : memref<80x128xf32, #tpu.memory_space<vmem>>) dst(%dma_wait3A_160 : memref<80x128xf32, #tpu.memory_space<vmem_shared>>)
        %add3A_161 = arith.constant 3 : i32
        %add3A_162 = arith.addi %mul3A_140, %add3A_161 : i32
        %dma_start3A_163 = arith.constant 0 : i32
        %dma_start3A_164 = tpu.memref_slice %arg9[%add3A_162, %dma_start3A_163] : memref<25x80xi32, #tpu.memory_space<vmem>> -> memref<1x80xi32, #tpu.memory_space<vmem>>
        %dma_start3A_165 = tpu.memref_squeeze %dma_start3A_164 : memref<1x80xi32, #tpu.memory_space<vmem>> -> memref<80xi32, #tpu.memory_space<vmem>>
        %dma_start3A_166 = arith.constant 0 : i32
        %dma_start3A_167 = arith.constant 0 : i32
        %dma_start3A_168 = tpu.memref_slice %arg2[%dma_start3A_166, %dma_start3A_167] : memref<10000x128xf32, #tpu.memory_space<hbm>> -> memref<10000x128xf32, #tpu.memory_space<hbm>>
        tpu.enqueue_indirect_dma source(%dma_start3A_168 : memref<10000x128xf32, #tpu.memory_space<hbm>>) target(%arg11 : memref<80x128xf32, #tpu.memory_space<vmem>>) offsets(%dma_start3A_165 : memref<80xi32, #tpu.memory_space<vmem>>) semaphore(%arg14 : memref<!tpu.dma_semaphore, #tpu.memory_space<semaphore_mem>>)
        %dma_wait3A_169 = arith.constant 0 : i32
        %dma_wait3A_170 = arith.constant 0 : i32
        %dma_wait3A_171 = tpu.memref_slice %arg2[%dma_wait3A_169, %dma_wait3A_170] : memref<10000x128xf32, #tpu.memory_space<hbm>> -> memref<80x128xf32, #tpu.memory_space<hbm>>
        %dma_wait3A_172 = arith.constant 0 : i32
        %dma_wait3A_173 = arith.constant 0 : i32
        %dma_wait3A_174 = tpu.memref_slice %arg2[%dma_wait3A_172, %dma_wait3A_173] : memref<10000x128xf32, #tpu.memory_space<hbm>> -> memref<80x128xf32, #tpu.memory_space<hbm>>
        tpu.wait_dma2 semaphore(%arg16 : memref<!tpu.dma_semaphore, #tpu.memory_space<semaphore_mem>>) src(%dma_wait3A_174 : memref<80x128xf32, #tpu.memory_space<hbm>>) dst(%arg13 : memref<80x128xf32, #tpu.memory_space<vmem>>)
        %add3A_175 = arith.constant 2 : i32
        %add3A_176 = arith.addi %mul3A_140, %add3A_175 : i32
        %dma_start3A_177 = arith.constant 0 : i32
        %dma_start3A_178 = tpu.memref_slice %arg10[%add3A_176, %dma_start3A_177] : memref<25x80xi32, #tpu.memory_space<vmem>> -> memref<1x80xi32, #tpu.memory_space<vmem>>
        %dma_start3A_179 = tpu.memref_squeeze %dma_start3A_178 : memref<1x80xi32, #tpu.memory_space<vmem>> -> memref<80xi32, #tpu.memory_space<vmem>>
        %dma_start3A_180 = arith.constant 0 : i32
        %dma_start3A_181 = arith.constant 0 : i32
        %dma_start3A_182 = tpu.memref_slice %arg8[%dma_start3A_180, %dma_start3A_181] : memref<10000x128xf32, #tpu.memory_space<vmem_shared>> -> memref<10000x128xf32, #tpu.memory_space<vmem_shared>>
        tpu.enqueue_indirect_dma source(%arg13 : memref<80x128xf32, #tpu.memory_space<vmem>>) target(%dma_start3A_182 : memref<10000x128xf32, #tpu.memory_space<vmem_shared>>) offsets(%dma_start3A_179 : memref<80xi32, #tpu.memory_space<vmem>>) semaphore(%arg19 : memref<!tpu.dma_semaphore, #tpu.memory_space<semaphore_mem>>) {add = true}
        %dma_wait3A_183 = arith.constant 0 : i32
        %dma_wait3A_184 = arith.constant 0 : i32
        %dma_wait3A_185 = tpu.memref_slice %arg8[%dma_wait3A_183, %dma_wait3A_184] : memref<10000x128xf32, #tpu.memory_space<vmem_shared>> -> memref<80x128xf32, #tpu.memory_space<vmem_shared>>
        %dma_wait3A_186 = arith.constant 0 : i32
        %dma_wait3A_187 = arith.constant 0 : i32
        %dma_wait3A_188 = tpu.memref_slice %arg8[%dma_wait3A_186, %dma_wait3A_187] : memref<10000x128xf32, #tpu.memory_space<vmem_shared>> -> memref<80x128xf32, #tpu.memory_space<vmem_shared>>
        tpu.wait_dma2 semaphore(%arg18 : memref<!tpu.dma_semaphore, #tpu.memory_space<semaphore_mem>>) src(%arg12 : memref<80x128xf32, #tpu.memory_space<vmem>>) dst(%dma_wait3A_188 : memref<80x128xf32, #tpu.memory_space<vmem_shared>>)
        %add3A_189 = arith.constant 4 : i32
        %add3A_190 = arith.addi %mul3A_140, %add3A_189 : i32
        %dma_start3A_191 = arith.constant 0 : i32
        %dma_start3A_192 = tpu.memref_slice %arg9[%add3A_190, %dma_start3A_191] : memref<25x80xi32, #tpu.memory_space<vmem>> -> memref<1x80xi32, #tpu.memory_space<vmem>>
        %dma_start3A_193 = tpu.memref_squeeze %dma_start3A_192 : memref<1x80xi32, #tpu.memory_space<vmem>> -> memref<80xi32, #tpu.memory_space<vmem>>
        %dma_start3A_194 = arith.constant 0 : i32
        %dma_start3A_195 = arith.constant 0 : i32
        %dma_start3A_196 = tpu.memref_slice %arg2[%dma_start3A_194, %dma_start3A_195] : memref<10000x128xf32, #tpu.memory_space<hbm>> -> memref<10000x128xf32, #tpu.memory_space<hbm>>
        tpu.enqueue_indirect_dma source(%dma_start3A_196 : memref<10000x128xf32, #tpu.memory_space<hbm>>) target(%arg12 : memref<80x128xf32, #tpu.memory_space<vmem>>) offsets(%dma_start3A_193 : memref<80xi32, #tpu.memory_space<vmem>>) semaphore(%arg15 : memref<!tpu.dma_semaphore, #tpu.memory_space<semaphore_mem>>)
        %dma_wait3A_197 = arith.constant 0 : i32
        %dma_wait3A_198 = arith.constant 0 : i32
        %dma_wait3A_199 = tpu.memref_slice %arg2[%dma_wait3A_197, %dma_wait3A_198] : memref<10000x128xf32, #tpu.memory_space<hbm>> -> memref<80x128xf32, #tpu.memory_space<hbm>>
        %dma_wait3A_200 = arith.constant 0 : i32
        %dma_wait3A_201 = arith.constant 0 : i32
        %dma_wait3A_202 = tpu.memref_slice %arg2[%dma_wait3A_200, %dma_wait3A_201] : memref<10000x128xf32, #tpu.memory_space<hbm>> -> memref<80x128xf32, #tpu.memory_space<hbm>>
        tpu.wait_dma2 semaphore(%arg14 : memref<!tpu.dma_semaphore, #tpu.memory_space<semaphore_mem>>) src(%dma_wait3A_202 : memref<80x128xf32, #tpu.memory_space<hbm>>) dst(%arg11 : memref<80x128xf32, #tpu.memory_space<vmem>>)
        %add3A_203 = arith.constant 3 : i32
        %add3A_204 = arith.addi %mul3A_140, %add3A_203 : i32
        %dma_start3A_205 = arith.constant 0 : i32
        %dma_start3A_206 = tpu.memref_slice %arg10[%add3A_204, %dma_start3A_205] : memref<25x80xi32, #tpu.memory_space<vmem>> -> memref<1x80xi32, #tpu.memory_space<vmem>>
        %dma_start3A_207 = tpu.memref_squeeze %dma_start3A_206 : memref<1x80xi32, #tpu.memory_space<vmem>> -> memref<80xi32, #tpu.memory_space<vmem>>
        %dma_start3A_208 = arith.constant 0 : i32
        %dma_start3A_209 = arith.constant 0 : i32
        %dma_start3A_210 = tpu.memref_slice %arg8[%dma_start3A_208, %dma_start3A_209] : memref<10000x128xf32, #tpu.memory_space<vmem_shared>> -> memref<10000x128xf32, #tpu.memory_space<vmem_shared>>
        tpu.enqueue_indirect_dma source(%arg11 : memref<80x128xf32, #tpu.memory_space<vmem>>) target(%dma_start3A_210 : memref<10000x128xf32, #tpu.memory_space<vmem_shared>>) offsets(%dma_start3A_207 : memref<80xi32, #tpu.memory_space<vmem>>) semaphore(%arg17 : memref<!tpu.dma_semaphore, #tpu.memory_space<semaphore_mem>>) {add = true}
        %dma_wait3A_211 = arith.constant 0 : i32
        %dma_wait3A_212 = arith.constant 0 : i32
        %dma_wait3A_213 = tpu.memref_slice %arg8[%dma_wait3A_211, %dma_wait3A_212] : memref<10000x128xf32, #tpu.memory_space<vmem_shared>> -> memref<80x128xf32, #tpu.memory_space<vmem_shared>>
        %dma_wait3A_214 = arith.constant 0 : i32
        %dma_wait3A_215 = arith.constant 0 : i32
        %dma_wait3A_216 = tpu.memref_slice %arg8[%dma_wait3A_214, %dma_wait3A_215] : memref<10000x128xf32, #tpu.memory_space<vmem_shared>> -> memref<80x128xf32, #tpu.memory_space<vmem_shared>>
        tpu.wait_dma2 semaphore(%arg19 : memref<!tpu.dma_semaphore, #tpu.memory_space<semaphore_mem>>) src(%arg13 : memref<80x128xf32, #tpu.memory_space<vmem>>) dst(%dma_wait3A_216 : memref<80x128xf32, #tpu.memory_space<vmem_shared>>)
        %add3A_217 = arith.constant 5 : i32
        %add3A_218 = arith.addi %mul3A_140, %add3A_217 : i32
        %dma_start3A_219 = arith.constant 0 : i32
        %dma_start3A_220 = tpu.memref_slice %arg9[%add3A_218, %dma_start3A_219] : memref<25x80xi32, #tpu.memory_space<vmem>> -> memref<1x80xi32, #tpu.memory_space<vmem>>
        %dma_start3A_221 = tpu.memref_squeeze %dma_start3A_220 : memref<1x80xi32, #tpu.memory_space<vmem>> -> memref<80xi32, #tpu.memory_space<vmem>>
        %dma_start3A_222 = arith.constant 0 : i32
        %dma_start3A_223 = arith.constant 0 : i32
        %dma_start3A_224 = tpu.memref_slice %arg2[%dma_start3A_222, %dma_start3A_223] : memref<10000x128xf32, #tpu.memory_space<hbm>> -> memref<10000x128xf32, #tpu.memory_space<hbm>>
        tpu.enqueue_indirect_dma source(%dma_start3A_224 : memref<10000x128xf32, #tpu.memory_space<hbm>>) target(%arg13 : memref<80x128xf32, #tpu.memory_space<vmem>>) offsets(%dma_start3A_221 : memref<80xi32, #tpu.memory_space<vmem>>) semaphore(%arg16 : memref<!tpu.dma_semaphore, #tpu.memory_space<semaphore_mem>>)
      }
      %scan3A_67 = arith.constant 7 : i32
      %dma_wait3A_68 = arith.constant 0 : i32
      %dma_wait3A_69 = arith.constant 0 : i32
      %dma_wait3A_70 = tpu.memref_slice %arg2[%dma_wait3A_68, %dma_wait3A_69] : memref<10000x128xf32, #tpu.memory_space<hbm>> -> memref<80x128xf32, #tpu.memory_space<hbm>>
      %dma_wait3A_71 = arith.constant 0 : i32
      %dma_wait3A_72 = arith.constant 0 : i32
      %dma_wait3A_73 = tpu.memref_slice %arg2[%dma_wait3A_71, %dma_wait3A_72] : memref<10000x128xf32, #tpu.memory_space<hbm>> -> memref<80x128xf32, #tpu.memory_space<hbm>>
      tpu.wait_dma2 semaphore(%arg15 : memref<!tpu.dma_semaphore, #tpu.memory_space<semaphore_mem>>) src(%dma_wait3A_73 : memref<80x128xf32, #tpu.memory_space<hbm>>) dst(%arg12 : memref<80x128xf32, #tpu.memory_space<vmem>>)
      %dma_start3A_74 = arith.constant 22 : i32
      %dma_start3A_75 = arith.constant 0 : i32
      %dma_start3A_76 = tpu.memref_slice %arg10[%dma_start3A_74, %dma_start3A_75] : memref<25x80xi32, #tpu.memory_space<vmem>> -> memref<1x80xi32, #tpu.memory_space<vmem>>
      %dma_start3A_77 = tpu.memref_squeeze %dma_start3A_76 : memref<1x80xi32, #tpu.memory_space<vmem>> -> memref<80xi32, #tpu.memory_space<vmem>>
      %dma_start3A_78 = arith.constant 0 : i32
      %dma_start3A_79 = arith.constant 0 : i32
      %dma_start3A_80 = tpu.memref_slice %arg8[%dma_start3A_78, %dma_start3A_79] : memref<10000x128xf32, #tpu.memory_space<vmem_shared>> -> memref<10000x128xf32, #tpu.memory_space<vmem_shared>>
      tpu.enqueue_indirect_dma source(%arg12 : memref<80x128xf32, #tpu.memory_space<vmem>>) target(%dma_start3A_80 : memref<10000x128xf32, #tpu.memory_space<vmem_shared>>) offsets(%dma_start3A_77 : memref<80xi32, #tpu.memory_space<vmem>>) semaphore(%arg18 : memref<!tpu.dma_semaphore, #tpu.memory_space<semaphore_mem>>) {add = true}
      %dma_wait3A_81 = arith.constant 0 : i32
      %dma_wait3A_82 = arith.constant 0 : i32
      %dma_wait3A_83 = tpu.memref_slice %arg8[%dma_wait3A_81, %dma_wait3A_82] : memref<10000x128xf32, #tpu.memory_space<vmem_shared>> -> memref<80x128xf32, #tpu.memory_space<vmem_shared>>
      %dma_wait3A_84 = arith.constant 0 : i32
      %dma_wait3A_85 = arith.constant 0 : i32
      %dma_wait3A_86 = tpu.memref_slice %arg8[%dma_wait3A_84, %dma_wait3A_85] : memref<10000x128xf32, #tpu.memory_space<vmem_shared>> -> memref<80x128xf32, #tpu.memory_space<vmem_shared>>
      tpu.wait_dma2 semaphore(%arg17 : memref<!tpu.dma_semaphore, #tpu.memory_space<semaphore_mem>>) src(%arg11 : memref<80x128xf32, #tpu.memory_space<vmem>>) dst(%dma_wait3A_86 : memref<80x128xf32, #tpu.memory_space<vmem_shared>>)
      %dma_start3A_87 = arith.constant 24 : i32
      %dma_start3A_88 = arith.constant 0 : i32
      %dma_start3A_89 = tpu.memref_slice %arg9[%dma_start3A_87, %dma_start3A_88] : memref<25x80xi32, #tpu.memory_space<vmem>> -> memref<1x80xi32, #tpu.memory_space<vmem>>
      %dma_start3A_90 = tpu.memref_squeeze %dma_start3A_89 : memref<1x80xi32, #tpu.memory_space<vmem>> -> memref<80xi32, #tpu.memory_space<vmem>>
      %dma_start3A_91 = arith.constant 0 : i32
      %dma_start3A_92 = arith.constant 0 : i32
      %dma_start3A_93 = tpu.memref_slice %arg2[%dma_start3A_91, %dma_start3A_92] : memref<10000x128xf32, #tpu.memory_space<hbm>> -> memref<10000x128xf32, #tpu.memory_space<hbm>>
      tpu.enqueue_indirect_dma source(%dma_start3A_93 : memref<10000x128xf32, #tpu.memory_space<hbm>>) target(%arg11 : memref<80x128xf32, #tpu.memory_space<vmem>>) offsets(%dma_start3A_90 : memref<80xi32, #tpu.memory_space<vmem>>) semaphore(%arg14 : memref<!tpu.dma_semaphore, #tpu.memory_space<semaphore_mem>>)
      %dma_wait3A_94 = arith.constant 0 : i32
      %dma_wait3A_95 = arith.constant 0 : i32
      %dma_wait3A_96 = tpu.memref_slice %arg2[%dma_wait3A_94, %dma_wait3A_95] : memref<10000x128xf32, #tpu.memory_space<hbm>> -> memref<80x128xf32, #tpu.memory_space<hbm>>
      %dma_wait3A_97 = arith.constant 0 : i32
      %dma_wait3A_98 = arith.constant 0 : i32
      %dma_wait3A_99 = tpu.memref_slice %arg2[%dma_wait3A_97, %dma_wait3A_98] : memref<10000x128xf32, #tpu.memory_space<hbm>> -> memref<80x128xf32, #tpu.memory_space<hbm>>
      tpu.wait_dma2 semaphore(%arg16 : memref<!tpu.dma_semaphore, #tpu.memory_space<semaphore_mem>>) src(%dma_wait3A_99 : memref<80x128xf32, #tpu.memory_space<hbm>>) dst(%arg13 : memref<80x128xf32, #tpu.memory_space<vmem>>)
      %dma_start3A_100 = arith.constant 23 : i32
      %dma_start3A_101 = arith.constant 0 : i32
      %dma_start3A_102 = tpu.memref_slice %arg10[%dma_start3A_100, %dma_start3A_101] : memref<25x80xi32, #tpu.memory_space<vmem>> -> memref<1x80xi32, #tpu.memory_space<vmem>>
      %dma_start3A_103 = tpu.memref_squeeze %dma_start3A_102 : memref<1x80xi32, #tpu.memory_space<vmem>> -> memref<80xi32, #tpu.memory_space<vmem>>
      %dma_start3A_104 = arith.constant 0 : i32
      %dma_start3A_105 = arith.constant 0 : i32
      %dma_start3A_106 = tpu.memref_slice %arg8[%dma_start3A_104, %dma_start3A_105] : memref<10000x128xf32, #tpu.memory_space<vmem_shared>> -> memref<10000x128xf32, #tpu.memory_space<vmem_shared>>
      tpu.enqueue_indirect_dma source(%arg13 : memref<80x128xf32, #tpu.memory_space<vmem>>) target(%dma_start3A_106 : memref<10000x128xf32, #tpu.memory_space<vmem_shared>>) offsets(%dma_start3A_103 : memref<80xi32, #tpu.memory_space<vmem>>) semaphore(%arg19 : memref<!tpu.dma_semaphore, #tpu.memory_space<semaphore_mem>>) {add = true}
      %dma_wait3A_107 = arith.constant 0 : i32
      %dma_wait3A_108 = arith.constant 0 : i32
      %dma_wait3A_109 = tpu.memref_slice %arg2[%dma_wait3A_107, %dma_wait3A_108] : memref<10000x128xf32, #tpu.memory_space<hbm>> -> memref<80x128xf32, #tpu.memory_space<hbm>>
      %dma_wait3A_110 = arith.constant 0 : i32
      %dma_wait3A_111 = arith.constant 0 : i32
      %dma_wait3A_112 = tpu.memref_slice %arg2[%dma_wait3A_110, %dma_wait3A_111] : memref<10000x128xf32, #tpu.memory_space<hbm>> -> memref<80x128xf32, #tpu.memory_space<hbm>>
      tpu.wait_dma2 semaphore(%arg14 : memref<!tpu.dma_semaphore, #tpu.memory_space<semaphore_mem>>) src(%dma_wait3A_112 : memref<80x128xf32, #tpu.memory_space<hbm>>) dst(%arg11 : memref<80x128xf32, #tpu.memory_space<vmem>>)
      %dma_start3A_113 = arith.constant 24 : i32
      %dma_start3A_114 = arith.constant 0 : i32
      %dma_start3A_115 = tpu.memref_slice %arg10[%dma_start3A_113, %dma_start3A_114] : memref<25x80xi32, #tpu.memory_space<vmem>> -> memref<1x80xi32, #tpu.memory_space<vmem>>
      %dma_start3A_116 = tpu.memref_squeeze %dma_start3A_115 : memref<1x80xi32, #tpu.memory_space<vmem>> -> memref<80xi32, #tpu.memory_space<vmem>>
      %dma_start3A_117 = arith.constant 0 : i32
      %dma_start3A_118 = arith.constant 0 : i32
      %dma_start3A_119 = tpu.memref_slice %arg8[%dma_start3A_117, %dma_start3A_118] : memref<10000x128xf32, #tpu.memory_space<vmem_shared>> -> memref<10000x128xf32, #tpu.memory_space<vmem_shared>>
      tpu.enqueue_indirect_dma source(%arg11 : memref<80x128xf32, #tpu.memory_space<vmem>>) target(%dma_start3A_119 : memref<10000x128xf32, #tpu.memory_space<vmem_shared>>) offsets(%dma_start3A_116 : memref<80xi32, #tpu.memory_space<vmem>>) semaphore(%arg17 : memref<!tpu.dma_semaphore, #tpu.memory_space<semaphore_mem>>) {add = true}
      %dma_wait3A_120 = arith.constant 0 : i32
      %dma_wait3A_121 = arith.constant 0 : i32
      %dma_wait3A_122 = tpu.memref_slice %arg8[%dma_wait3A_120, %dma_wait3A_121] : memref<10000x128xf32, #tpu.memory_space<vmem_shared>> -> memref<80x128xf32, #tpu.memory_space<vmem_shared>>
      %dma_wait3A_123 = arith.constant 0 : i32
      %dma_wait3A_124 = arith.constant 0 : i32
      %dma_wait3A_125 = tpu.memref_slice %arg8[%dma_wait3A_123, %dma_wait3A_124] : memref<10000x128xf32, #tpu.memory_space<vmem_shared>> -> memref<80x128xf32, #tpu.memory_space<vmem_shared>>
      tpu.wait_dma2 semaphore(%arg18 : memref<!tpu.dma_semaphore, #tpu.memory_space<semaphore_mem>>) src(%arg12 : memref<80x128xf32, #tpu.memory_space<vmem>>) dst(%dma_wait3A_125 : memref<80x128xf32, #tpu.memory_space<vmem_shared>>)
      %dma_wait3A_126 = arith.constant 0 : i32
      %dma_wait3A_127 = arith.constant 0 : i32
      %dma_wait3A_128 = tpu.memref_slice %arg8[%dma_wait3A_126, %dma_wait3A_127] : memref<10000x128xf32, #tpu.memory_space<vmem_shared>> -> memref<80x128xf32, #tpu.memory_space<vmem_shared>>
      %dma_wait3A_129 = arith.constant 0 : i32
      %dma_wait3A_130 = arith.constant 0 : i32
      %dma_wait3A_131 = tpu.memref_slice %arg8[%dma_wait3A_129, %dma_wait3A_130] : memref<10000x128xf32, #tpu.memory_space<vmem_shared>> -> memref<80x128xf32, #tpu.memory_space<vmem_shared>>
      tpu.wait_dma2 semaphore(%arg19 : memref<!tpu.dma_semaphore, #tpu.memory_space<semaphore_mem>>) src(%arg13 : memref<80x128xf32, #tpu.memory_space<vmem>>) dst(%dma_wait3A_131 : memref<80x128xf32, #tpu.memory_space<vmem_shared>>)
      %dma_wait3A_132 = arith.constant 0 : i32
      %dma_wait3A_133 = arith.constant 0 : i32
      %dma_wait3A_134 = tpu.memref_slice %arg8[%dma_wait3A_132, %dma_wait3A_133] : memref<10000x128xf32, #tpu.memory_space<vmem_shared>> -> memref<80x128xf32, #tpu.memory_space<vmem_shared>>
      %dma_wait3A_135 = arith.constant 0 : i32
      %dma_wait3A_136 = arith.constant 0 : i32
      %dma_wait3A_137 = tpu.memref_slice %arg8[%dma_wait3A_135, %dma_wait3A_136] : memref<10000x128xf32, #tpu.memory_space<vmem_shared>> -> memref<80x128xf32, #tpu.memory_space<vmem_shared>>
      tpu.wait_dma2 semaphore(%arg17 : memref<!tpu.dma_semaphore, #tpu.memory_space<semaphore_mem>>) src(%arg11 : memref<80x128xf32, #tpu.memory_space<vmem>>) dst(%dma_wait3A_137 : memref<80x128xf32, #tpu.memory_space<vmem_shared>>)
    }
    %scan3A_11 = arith.constant 5 : i32
    %barrier3A_12 = arith.constant 0 : index
    tpu.barrier barrier_id(%barrier3A_12)
    %lt3A_13 = arith.constant 15 : i32
    %lt3A_14 = arith.cmpi slt, %arg1, %lt3A_13 : i32
    %convert_element_type3A_15 = arith.extui %lt3A_14 : i1 to i32
    %cond3A_16 = arith.constant 0 : i32
    %cond3A_17 = arith.cmpi ne, %convert_element_type3A_15, %cond3A_16 : i32
    scf.if %cond3A_17 {
      %mul3A_23 = arith.constant 640 : i32
      %mul3A_24 = arith.muli %arg1, %mul3A_23 : i32
      %multiple_of3A = tpu.assume_multiple %mul3A_24, 640 : i32
      %eq3A_25 = arith.constant 0 : i32
      %eq3A_26 = arith.cmpi eq, %arg0, %eq3A_25 : i32
      %convert_element_type3A_27 = arith.extui %eq3A_26 : i1 to i32
      %cond3A_28 = arith.constant 0 : i32
      %cond3A_29 = arith.cmpi ne, %convert_element_type3A_27, %cond3A_28 : i32
      scf.if %cond3A_29 {
        "tpu.region"() ({
          %run_scoped3A = tpu.sem_alloc : memref<!tpu.dma_semaphore, #tpu.memory_space<semaphore_mem>>
          %dma_start3A = arith.constant 0 : i32
          %dma_start3A_35 = tpu.memref_slice %arg6[%multiple_of3A, %dma_start3A] : memref<10000x128xf32, #tpu.memory_space<hbm>> -> memref<640x128xf32, #tpu.memory_space<hbm>>
          %dma_start3A_36 = arith.constant 0 : i32
          %dma_start3A_37 = tpu.memref_slice %arg8[%multiple_of3A, %dma_start3A_36] : memref<10000x128xf32, #tpu.memory_space<vmem_shared>> -> memref<640x128xf32, #tpu.memory_space<vmem_shared>>
          tpu.enqueue_dma source(%dma_start3A_37 : memref<640x128xf32, #tpu.memory_space<vmem_shared>>) target(%dma_start3A_35 : memref<640x128xf32, #tpu.memory_space<hbm>>) target_semaphore(%run_scoped3A : memref<!tpu.dma_semaphore, #tpu.memory_space<semaphore_mem>>)
          %dma_wait3A = arith.constant 0 : i32
          %dma_wait3A_38 = tpu.memref_slice %arg6[%multiple_of3A, %dma_wait3A] : memref<10000x128xf32, #tpu.memory_space<hbm>> -> memref<640x128xf32, #tpu.memory_space<hbm>>
          %dma_wait3A_39 = arith.constant 0 : i32
          %dma_wait3A_40 = tpu.memref_slice %arg8[%multiple_of3A, %dma_wait3A_39] : memref<10000x128xf32, #tpu.memory_space<vmem_shared>> -> memref<640x128xf32, #tpu.memory_space<vmem_shared>>
          tpu.wait_dma2 semaphore(%run_scoped3A : memref<!tpu.dma_semaphore, #tpu.memory_space<semaphore_mem>>) src(%dma_wait3A_40 : memref<640x128xf32, #tpu.memory_space<vmem_shared>>) dst(%dma_wait3A_38 : memref<640x128xf32, #tpu.memory_space<hbm>>)
          tpu.yield
        }) : () -> ()
      } else {
      }
      %eq3A_30 = arith.constant 1 : i32
      %eq3A_31 = arith.cmpi eq, %arg0, %eq3A_30 : i32
      %convert_element_type3A_32 = arith.extui %eq3A_31 : i1 to i32
      %cond3A_33 = arith.constant 0 : i32
      %cond3A_34 = arith.cmpi ne, %convert_element_type3A_32, %cond3A_33 : i32
      scf.if %cond3A_34 {
        "tpu.region"() ({
          %run_scoped3A = tpu.sem_alloc : memref<!tpu.dma_semaphore, #tpu.memory_space<semaphore_mem>>
          %dma_start3A = arith.constant 0 : i32
          %dma_start3A_35 = tpu.memref_slice %arg7[%multiple_of3A, %dma_start3A] : memref<10000x128xf32, #tpu.memory_space<hbm>> -> memref<640x128xf32, #tpu.memory_space<hbm>>
          %dma_start3A_36 = arith.constant 0 : i32
          %dma_start3A_37 = tpu.memref_slice %arg8[%multiple_of3A, %dma_start3A_36] : memref<10000x128xf32, #tpu.memory_space<vmem_shared>> -> memref<640x128xf32, #tpu.memory_space<vmem_shared>>
          tpu.enqueue_dma source(%dma_start3A_37 : memref<640x128xf32, #tpu.memory_space<vmem_shared>>) target(%dma_start3A_35 : memref<640x128xf32, #tpu.memory_space<hbm>>) target_semaphore(%run_scoped3A : memref<!tpu.dma_semaphore, #tpu.memory_space<semaphore_mem>>)
          %dma_wait3A = arith.constant 0 : i32
          %dma_wait3A_38 = tpu.memref_slice %arg7[%multiple_of3A, %dma_wait3A] : memref<10000x128xf32, #tpu.memory_space<hbm>> -> memref<640x128xf32, #tpu.memory_space<hbm>>
          %dma_wait3A_39 = arith.constant 0 : i32
          %dma_wait3A_40 = tpu.memref_slice %arg8[%multiple_of3A, %dma_wait3A_39] : memref<10000x128xf32, #tpu.memory_space<vmem_shared>> -> memref<640x128xf32, #tpu.memory_space<vmem_shared>>
          tpu.wait_dma2 semaphore(%run_scoped3A : memref<!tpu.dma_semaphore, #tpu.memory_space<semaphore_mem>>) src(%dma_wait3A_40 : memref<640x128xf32, #tpu.memory_space<vmem_shared>>) dst(%dma_wait3A_38 : memref<640x128xf32, #tpu.memory_space<hbm>>)
          tpu.yield
        }) : () -> ()
      } else {
      }
    } else {
    }
    %eq3A_18 = arith.constant 15 : i32
    %eq3A_19 = arith.cmpi eq, %arg1, %eq3A_18 : i32
    %convert_element_type3A_20 = arith.extui %eq3A_19 : i1 to i32
    %cond3A_21 = arith.constant 0 : i32
    %cond3A_22 = arith.cmpi ne, %convert_element_type3A_20, %cond3A_21 : i32
    scf.if %cond3A_22 {
      %eq3A_23 = arith.constant 0 : i32
      %eq3A_24 = arith.cmpi eq, %arg0, %eq3A_23 : i32
      %convert_element_type3A_25 = arith.extui %eq3A_24 : i1 to i32
      %cond3A_26 = arith.constant 0 : i32
      %cond3A_27 = arith.cmpi ne, %convert_element_type3A_25, %cond3A_26 : i32
      scf.if %cond3A_27 {
        "tpu.region"() ({
          %run_scoped3A = tpu.sem_alloc : memref<!tpu.dma_semaphore, #tpu.memory_space<semaphore_mem>>
          %dma_start3A = arith.constant 9600 : i32
          %dma_start3A_33 = arith.constant 0 : i32
          %dma_start3A_34 = tpu.memref_slice %arg6[%dma_start3A, %dma_start3A_33] : memref<10000x128xf32, #tpu.memory_space<hbm>> -> memref<400x128xf32, #tpu.memory_space<hbm>>
          %dma_start3A_35 = arith.constant 9600 : i32
          %dma_start3A_36 = arith.constant 0 : i32
          %dma_start3A_37 = tpu.memref_slice %arg8[%dma_start3A_35, %dma_start3A_36] : memref<10000x128xf32, #tpu.memory_space<vmem_shared>> -> memref<400x128xf32, #tpu.memory_space<vmem_shared>>
          tpu.enqueue_dma source(%dma_start3A_37 : memref<400x128xf32, #tpu.memory_space<vmem_shared>>) target(%dma_start3A_34 : memref<400x128xf32, #tpu.memory_space<hbm>>) target_semaphore(%run_scoped3A : memref<!tpu.dma_semaphore, #tpu.memory_space<semaphore_mem>>)
          %dma_wait3A = arith.constant 9600 : i32
          %dma_wait3A_38 = arith.constant 0 : i32
          %dma_wait3A_39 = tpu.memref_slice %arg6[%dma_wait3A, %dma_wait3A_38] : memref<10000x128xf32, #tpu.memory_space<hbm>> -> memref<400x128xf32, #tpu.memory_space<hbm>>
          %dma_wait3A_40 = arith.constant 9600 : i32
          %dma_wait3A_41 = arith.constant 0 : i32
          %dma_wait3A_42 = tpu.memref_slice %arg8[%dma_wait3A_40, %dma_wait3A_41] : memref<10000x128xf32, #tpu.memory_space<vmem_shared>> -> memref<400x128xf32, #tpu.memory_space<vmem_shared>>
          tpu.wait_dma2 semaphore(%run_scoped3A : memref<!tpu.dma_semaphore, #tpu.memory_space<semaphore_mem>>) src(%dma_wait3A_42 : memref<400x128xf32, #tpu.memory_space<vmem_shared>>) dst(%dma_wait3A_39 : memref<400x128xf32, #tpu.memory_space<hbm>>)
          tpu.yield
        }) : () -> ()
      } else {
      }
      %eq3A_28 = arith.constant 1 : i32
      %eq3A_29 = arith.cmpi eq, %arg0, %eq3A_28 : i32
      %convert_element_type3A_30 = arith.extui %eq3A_29 : i1 to i32
      %cond3A_31 = arith.constant 0 : i32
      %cond3A_32 = arith.cmpi ne, %convert_element_type3A_30, %cond3A_31 : i32
      scf.if %cond3A_32 {
        "tpu.region"() ({
          %run_scoped3A = tpu.sem_alloc : memref<!tpu.dma_semaphore, #tpu.memory_space<semaphore_mem>>
          %dma_start3A = arith.constant 9600 : i32
          %dma_start3A_33 = arith.constant 0 : i32
          %dma_start3A_34 = tpu.memref_slice %arg7[%dma_start3A, %dma_start3A_33] : memref<10000x128xf32, #tpu.memory_space<hbm>> -> memref<400x128xf32, #tpu.memory_space<hbm>>
          %dma_start3A_35 = arith.constant 9600 : i32
          %dma_start3A_36 = arith.constant 0 : i32
          %dma_start3A_37 = tpu.memref_slice %arg8[%dma_start3A_35, %dma_start3A_36] : memref<10000x128xf32, #tpu.memory_space<vmem_shared>> -> memref<400x128xf32, #tpu.memory_space<vmem_shared>>
          tpu.enqueue_dma source(%dma_start3A_37 : memref<400x128xf32, #tpu.memory_space<vmem_shared>>) target(%dma_start3A_34 : memref<400x128xf32, #tpu.memory_space<hbm>>) target_semaphore(%run_scoped3A : memref<!tpu.dma_semaphore, #tpu.memory_space<semaphore_mem>>)
          %dma_wait3A = arith.constant 9600 : i32
          %dma_wait3A_38 = arith.constant 0 : i32
          %dma_wait3A_39 = tpu.memref_slice %arg7[%dma_wait3A, %dma_wait3A_38] : memref<10000x128xf32, #tpu.memory_space<hbm>> -> memref<400x128xf32, #tpu.memory_space<hbm>>
          %dma_wait3A_40 = arith.constant 9600 : i32
          %dma_wait3A_41 = arith.constant 0 : i32
          %dma_wait3A_42 = tpu.memref_slice %arg8[%dma_wait3A_40, %dma_wait3A_41] : memref<10000x128xf32, #tpu.memory_space<vmem_shared>> -> memref<400x128xf32, #tpu.memory_space<vmem_shared>>
          tpu.wait_dma2 semaphore(%run_scoped3A : memref<!tpu.dma_semaphore, #tpu.memory_space<semaphore_mem>>) src(%dma_wait3A_42 : memref<400x128xf32, #tpu.memory_space<vmem_shared>>) dst(%dma_wait3A_39 : memref<400x128xf32, #tpu.memory_space<hbm>>)
          tpu.yield
        }) : () -> ()
      } else {
      }
    } else {
    }
    return
  }
}

#map = affine_map<(d0, d1) -> (0, 0, 0)>
#map1 = affine_map<(d0, d1) -> (0)>
module attributes {stable_mosaic.version = 14 : i64} {
  func.func @_deg_kernel(%arg0: i32, %arg1: i32, %arg2: memref<160x25x80xi32, #tpu.memory_space<hbm>>, %arg3: memref<10000xf32, #tpu.memory_space<hbm>>, %arg4: memref<80xf32, #tpu.memory_space<hbm>>, %arg5: memref<10000xf32, #tpu.memory_space<hbm>>, %arg6: memref<10000xf32, #tpu.memory_space<hbm>>, %arg7: memref<10000xf32, #tpu.memory_space<vmem_shared>>, %arg8: memref<5x25x80xi32, #tpu.memory_space<vmem>>, %arg9: memref<80xf32, #tpu.memory_space<vmem>>, %arg10: memref<!tpu.dma_semaphore, #tpu.memory_space<semaphore_mem>>) attributes {dimension_semantics = [#tpu.dimension_semantics<core_parallel>, #tpu.dimension_semantics<subcore_parallel>], iteration_bounds = array<i64: 2, 16>, scalar_prefetch = 0 : i64, scratch_operands = 4 : i64, tpu.core_type = #tpu.core_type<sc_vector_subcore>, window_params = [{transform_indices = #map}, {transform_indices = #map1}, {transform_indices = #map1}, {transform_indices = #map1}, {transform_indices = #map1}]} {
    %mul3A = arith.constant 16 : i32
    %mul3A_0 = arith.muli %arg0, %mul3A : i32
    %add3A = arith.addi %mul3A_0, %arg1 : i32
    %eq3A = arith.constant 0 : i32
    %eq3A_1 = arith.cmpi eq, %arg1, %eq3A : i32
    %convert_element_type3A = arith.extui %eq3A_1 : i1 to i32
    %cond3A = arith.constant 0 : i32
    %cond3A_2 = arith.cmpi ne, %convert_element_type3A, %cond3A : i32
    scf.if %cond3A_2 {
      "tpu.region"() ({
        %run_scoped3A = tpu.sem_alloc : memref<!tpu.dma_semaphore, #tpu.memory_space<semaphore_mem>>
        tpu.enqueue_dma source(%arg3 : memref<10000xf32, #tpu.memory_space<hbm>>) target(%arg7 : memref<10000xf32, #tpu.memory_space<vmem_shared>>) target_semaphore(%run_scoped3A : memref<!tpu.dma_semaphore, #tpu.memory_space<semaphore_mem>>)
        tpu.wait_dma2 semaphore(%run_scoped3A : memref<!tpu.dma_semaphore, #tpu.memory_space<semaphore_mem>>) src(%arg3 : memref<10000xf32, #tpu.memory_space<hbm>>) dst(%arg7 : memref<10000xf32, #tpu.memory_space<vmem_shared>>)
        tpu.yield
      }) : () -> ()
    } else {
    }
    "tpu.region"() ({
      %run_scoped3A = tpu.sem_alloc : memref<!tpu.dma_semaphore, #tpu.memory_space<semaphore_mem>>
      tpu.enqueue_dma source(%arg4 : memref<80xf32, #tpu.memory_space<hbm>>) target(%arg9 : memref<80xf32, #tpu.memory_space<vmem>>) target_semaphore(%run_scoped3A : memref<!tpu.dma_semaphore, #tpu.memory_space<semaphore_mem>>)
      tpu.wait_dma2 semaphore(%run_scoped3A : memref<!tpu.dma_semaphore, #tpu.memory_space<semaphore_mem>>) src(%arg4 : memref<80xf32, #tpu.memory_space<hbm>>) dst(%arg9 : memref<80xf32, #tpu.memory_space<vmem>>)
      tpu.yield
    }) : () -> ()
    %mul3A_3 = arith.constant 5 : i32
    %mul3A_4 = arith.muli %add3A, %mul3A_3 : i32
    "tpu.region"() ({
      %run_scoped3A = tpu.sem_alloc : memref<!tpu.dma_semaphore, #tpu.memory_space<semaphore_mem>>
      %dma_start3A = arith.constant 0 : i32
      %dma_start3A_32 = arith.constant 0 : i32
      %dma_start3A_33 = tpu.memref_slice %arg2[%mul3A_4, %dma_start3A, %dma_start3A_32] : memref<160x25x80xi32, #tpu.memory_space<hbm>> -> memref<5x25x80xi32, #tpu.memory_space<hbm>>
      %dma_start3A_34 = arith.constant 0 : i32
      %dma_start3A_35 = arith.constant 0 : i32
      %dma_start3A_36 = tpu.memref_slice %arg2[%mul3A_4, %dma_start3A_34, %dma_start3A_35] : memref<160x25x80xi32, #tpu.memory_space<hbm>> -> memref<5x25x80xi32, #tpu.memory_space<hbm>>
      tpu.enqueue_dma source(%dma_start3A_36 : memref<5x25x80xi32, #tpu.memory_space<hbm>>) target(%arg8 : memref<5x25x80xi32, #tpu.memory_space<vmem>>) target_semaphore(%run_scoped3A : memref<!tpu.dma_semaphore, #tpu.memory_space<semaphore_mem>>)
      %dma_wait3A = arith.constant 0 : i32
      %dma_wait3A_37 = arith.constant 0 : i32
      %dma_wait3A_38 = tpu.memref_slice %arg2[%mul3A_4, %dma_wait3A, %dma_wait3A_37] : memref<160x25x80xi32, #tpu.memory_space<hbm>> -> memref<5x25x80xi32, #tpu.memory_space<hbm>>
      %dma_wait3A_39 = arith.constant 0 : i32
      %dma_wait3A_40 = arith.constant 0 : i32
      %dma_wait3A_41 = tpu.memref_slice %arg2[%mul3A_4, %dma_wait3A_39, %dma_wait3A_40] : memref<160x25x80xi32, #tpu.memory_space<hbm>> -> memref<5x25x80xi32, #tpu.memory_space<hbm>>
      tpu.wait_dma2 semaphore(%run_scoped3A : memref<!tpu.dma_semaphore, #tpu.memory_space<semaphore_mem>>) src(%dma_wait3A_41 : memref<5x25x80xi32, #tpu.memory_space<hbm>>) dst(%arg8 : memref<5x25x80xi32, #tpu.memory_space<vmem>>)
      tpu.yield
    }) : () -> ()
    %barrier3A = arith.constant 0 : index
    tpu.barrier barrier_id(%barrier3A)
    %scan3A = arith.constant 0 : i32
    %scan3A_5 = arith.constant 0 : i32
    %scan3A_6 = arith.constant 125 : i32
    %scan3A_7 = arith.addi %scan3A_5, %scan3A_6 : i32
    %scan3A_8 = arith.constant 1 : i32
    scf.for %scan3A_32 = %scan3A_5 to %scan3A_7 step %scan3A_8  : i32 {
      %jit3A = arith.constant 25 : i32
      %div3A = arith.divsi %scan3A_32, %jit3A : i32
      %sign3A = arith.constant 0 : i32
      %sign3A_33 = arith.cmpi sgt, %scan3A_32, %sign3A : i32
      %sign3A_34 = arith.extui %sign3A_33 : i1 to i32
      %sign3A_35 = arith.constant 0 : i32
      %sign3A_36 = arith.cmpi slt, %scan3A_32, %sign3A_35 : i32
      %sign3A_37 = arith.extui %sign3A_36 : i1 to i32
      %sign3A_38 = arith.subi %sign3A_34, %sign3A_37 : i32
      %sign3A_39 = arith.constant 0 : i32
      %sign3A_40 = arith.cmpi sgt, %jit3A, %sign3A_39 : i32
      %sign3A_41 = arith.extui %sign3A_40 : i1 to i32
      %sign3A_42 = arith.constant 0 : i32
      %sign3A_43 = arith.cmpi slt, %jit3A, %sign3A_42 : i32
      %sign3A_44 = arith.extui %sign3A_43 : i1 to i32
      %sign3A_45 = arith.subi %sign3A_41, %sign3A_44 : i32
      %ne3A = arith.cmpi ne, %sign3A_38, %sign3A_45 : i32
      %rem3A = arith.remsi %scan3A_32, %jit3A : i32
      %ne3A_46 = arith.constant 0 : i32
      %ne3A_47 = arith.cmpi ne, %rem3A, %ne3A_46 : i32
      %and3A_48 = arith.andi %ne3A, %ne3A_47 : i1
      %sub3A = arith.constant 1 : i32
      %sub3A_49 = arith.subi %div3A, %sub3A : i32
      %select_n3A = arith.select %and3A_48, %sub3A_49, %div3A : i32
      %mul3A_50 = arith.constant 25 : i32
      %mul3A_51 = arith.muli %select_n3A, %mul3A_50 : i32
      %sub3A_52 = arith.subi %scan3A_32, %mul3A_51 : i32
      %dma_start3A = arith.constant 0 : i32
      %dma_start3A_53 = tpu.memref_slice %arg8[%select_n3A, %sub3A_52, %dma_start3A] : memref<5x25x80xi32, #tpu.memory_space<vmem>> -> memref<1x1x80xi32, #tpu.memory_space<vmem>>
      %dma_start3A_54 = tpu.memref_squeeze %dma_start3A_53 : memref<1x1x80xi32, #tpu.memory_space<vmem>> -> memref<80xi32, #tpu.memory_space<vmem>>
      %dma_start3A_55 = arith.constant 0 : i32
      %dma_start3A_56 = tpu.memref_slice %arg7[%dma_start3A_55] : memref<10000xf32, #tpu.memory_space<vmem_shared>> -> memref<10000xf32, #tpu.memory_space<vmem_shared>>
      tpu.enqueue_indirect_dma source(%arg9 : memref<80xf32, #tpu.memory_space<vmem>>) target(%dma_start3A_56 : memref<10000xf32, #tpu.memory_space<vmem_shared>>) offsets(%dma_start3A_54 : memref<80xi32, #tpu.memory_space<vmem>>) semaphore(%arg10 : memref<!tpu.dma_semaphore, #tpu.memory_space<semaphore_mem>>) {add = true}
    }
    %scan3A_9 = arith.constant 125 : i32
    %scan3A_10 = arith.constant 0 : i32
    %scan3A_11 = arith.constant 0 : i32
    %scan3A_12 = arith.constant 125 : i32
    %scan3A_13 = arith.addi %scan3A_11, %scan3A_12 : i32
    %scan3A_14 = arith.constant 1 : i32
    scf.for %scan3A_32 = %scan3A_11 to %scan3A_13 step %scan3A_14  : i32 {
      %dma_wait3A = arith.constant 0 : i32
      %dma_wait3A_33 = tpu.memref_slice %arg7[%dma_wait3A] : memref<10000xf32, #tpu.memory_space<vmem_shared>> -> memref<80xf32, #tpu.memory_space<vmem_shared>>
      %dma_wait3A_34 = arith.constant 0 : i32
      %dma_wait3A_35 = tpu.memref_slice %arg7[%dma_wait3A_34] : memref<10000xf32, #tpu.memory_space<vmem_shared>> -> memref<80xf32, #tpu.memory_space<vmem_shared>>
      tpu.wait_dma2 semaphore(%arg10 : memref<!tpu.dma_semaphore, #tpu.memory_space<semaphore_mem>>) src(%arg9 : memref<80xf32, #tpu.memory_space<vmem>>) dst(%dma_wait3A_35 : memref<80xf32, #tpu.memory_space<vmem_shared>>)
    }
    %scan3A_15 = arith.constant 125 : i32
    %barrier3A_16 = arith.constant 0 : index
    tpu.barrier barrier_id(%barrier3A_16)
    %eq3A_17 = arith.constant 0 : i32
    %eq3A_18 = arith.cmpi eq, %arg1, %eq3A_17 : i32
    %eq3A_19 = arith.constant 0 : i32
    %eq3A_20 = arith.cmpi eq, %arg0, %eq3A_19 : i32
    %and3A = arith.andi %eq3A_18, %eq3A_20 : i1
    %convert_element_type3A_21 = arith.extui %and3A : i1 to i32
    %cond3A_22 = arith.constant 0 : i32
    %cond3A_23 = arith.cmpi ne, %convert_element_type3A_21, %cond3A_22 : i32
    scf.if %cond3A_23 {
      "tpu.region"() ({
        %run_scoped3A = tpu.sem_alloc : memref<!tpu.dma_semaphore, #tpu.memory_space<semaphore_mem>>
        tpu.enqueue_dma source(%arg7 : memref<10000xf32, #tpu.memory_space<vmem_shared>>) target(%arg5 : memref<10000xf32, #tpu.memory_space<hbm>>) target_semaphore(%run_scoped3A : memref<!tpu.dma_semaphore, #tpu.memory_space<semaphore_mem>>)
        tpu.wait_dma2 semaphore(%run_scoped3A : memref<!tpu.dma_semaphore, #tpu.memory_space<semaphore_mem>>) src(%arg7 : memref<10000xf32, #tpu.memory_space<vmem_shared>>) dst(%arg5 : memref<10000xf32, #tpu.memory_space<hbm>>)
        tpu.yield
      }) : () -> ()
    } else {
    }
    %eq3A_24 = arith.constant 0 : i32
    %eq3A_25 = arith.cmpi eq, %arg1, %eq3A_24 : i32
    %eq3A_26 = arith.constant 1 : i32
    %eq3A_27 = arith.cmpi eq, %arg0, %eq3A_26 : i32
    %and3A_28 = arith.andi %eq3A_25, %eq3A_27 : i1
    %convert_element_type3A_29 = arith.extui %and3A_28 : i1 to i32
    %cond3A_30 = arith.constant 0 : i32
    %cond3A_31 = arith.cmpi ne, %convert_element_type3A_29, %cond3A_30 : i32
    scf.if %cond3A_31 {
      "tpu.region"() ({
        %run_scoped3A = tpu.sem_alloc : memref<!tpu.dma_semaphore, #tpu.memory_space<semaphore_mem>>
        tpu.enqueue_dma source(%arg7 : memref<10000xf32, #tpu.memory_space<vmem_shared>>) target(%arg6 : memref<10000xf32, #tpu.memory_space<hbm>>) target_semaphore(%run_scoped3A : memref<!tpu.dma_semaphore, #tpu.memory_space<semaphore_mem>>)
        tpu.wait_dma2 semaphore(%run_scoped3A : memref<!tpu.dma_semaphore, #tpu.memory_space<semaphore_mem>>) src(%arg7 : memref<10000xf32, #tpu.memory_space<vmem_shared>>) dst(%arg6 : memref<10000xf32, #tpu.memory_space<hbm>>)
        tpu.yield
      }) : () -> ()
    } else {
    }
    return
  }
}

module attributes {stable_mosaic.version = 14 : i64} {
  func.func @_mm_body(%arg0: i32, %arg1: memref<1024x128xf32, #tpu.memory_space<vmem>>, %arg2: memref<128x128xf32, #tpu.memory_space<vmem>>, %arg3: memref<1024x128xf32, #tpu.memory_space<vmem>>) attributes {dimension_semantics = [#tpu.dimension_semantics<arbitrary>], iteration_bounds = array<i64: 10>, scalar_prefetch = 0 : i64, scratch_operands = 0 : i64, tpu.core_type = #tpu.core_type<tc>, window_params = [{transform_indices = @transform_0, window_bounds = array<i64: 1024, 128>}, {pipeline_mode = #tpu.pipeline_mode<synchronous>, transform_indices = @transform_1, window_bounds = array<i64: 128, 128>}, {transform_indices = @transform_2, window_bounds = array<i64: 1024, 128>}]} {
    %get3A = arith.constant 0 : index
    %get3A_0 = arith.constant 0 : index
    %get3A_1 = vector.load %arg1[%get3A, %get3A_0] : memref<1024x128xf32, #tpu.memory_space<vmem>>, vector<1024x128xf32>
    %get3A_2 = arith.constant 0 : index
    %get3A_3 = arith.constant 0 : index
    %get3A_4 = vector.load %arg2[%get3A_2, %get3A_3] : memref<128x128xf32, #tpu.memory_space<vmem>>, vector<128x128xf32>
    %dot_general3A = arith.constant dense<0.000000e+00> : vector<1024x128xf32>
    %dot_general3A_5 = tpu.matmul %get3A_1, %get3A_4, %dot_general3A {dimension_numbers = #tpu.dot_dimension_numbers<[1], [0], [0], [1], [0, 0, 1, 1], [], []>, transpose_lhs_hint = false} : vector<1024x128xf32>, vector<128x128xf32>, vector<1024x128xf32> -> vector<1024x128xf32>
    %swap3A = arith.constant 0 : index
    %swap3A_6 = arith.constant 0 : index
    %swap3A_7 = vector.load %arg3[%swap3A, %swap3A_6] : memref<1024x128xf32, #tpu.memory_space<vmem>>, vector<1024x128xf32>
    tpu.vector_store %arg3[%swap3A, %swap3A_6], %dot_general3A_5 {strides = array<i32>} : memref<1024x128xf32, #tpu.memory_space<vmem>>, vector<1024x128xf32>,
    return
  }
  func.func @transform_0(%arg0: i32) -> (i32, i32) {
    %c0_i32 = arith.constant 0 : i32
    %c0_i32_0 = arith.constant 0 : i32
    return %arg0, %c0_i32 : i32, i32
  }
  func.func @transform_1(%arg0: i32) -> (i32, i32) {
    %c0_i32 = arith.constant 0 : i32
    %c0_i32_0 = arith.constant 0 : i32
    %c0_i32_1 = arith.constant 0 : i32
    return %c0_i32, %c0_i32_0 : i32, i32
  }
  func.func @transform_2(%arg0: i32) -> (i32, i32) {
    %c0_i32 = arith.constant 0 : i32
    %c0_i32_0 = arith.constant 0 : i32
    return %arg0, %c0_i32 : i32, i32
  }
}

module attributes {stable_mosaic.version = 14 : i64} {
  func.func @_scale_body(%arg0: i32, %arg1: memref<1024x128xf32, #tpu.memory_space<vmem>>, %arg2: memref<1024x2xf32, #tpu.memory_space<vmem>>, %arg3: memref<1024x128xf32, #tpu.memory_space<vmem>>, %arg4: memref<1024x1xf32, #tpu.memory_space<vmem>>) attributes {dimension_semantics = [#tpu.dimension_semantics<arbitrary>], iteration_bounds = array<i64: 10>, scalar_prefetch = 0 : i64, scratch_operands = 0 : i64, tpu.core_type = #tpu.core_type<tc>, window_params = [{transform_indices = @transform_0, window_bounds = array<i64: 1024, 128>}, {transform_indices = @transform_1, window_bounds = array<i64: 1024, 2>}, {transform_indices = @transform_2, window_bounds = array<i64: 1024, 128>}, {transform_indices = @transform_3, window_bounds = array<i64: 1024, 1>}]} {
    %get3A = arith.constant 0 : index
    %get3A_0 = arith.constant 0 : index
    %get3A_1 = vector.load %arg2[%get3A, %get3A_0] : memref<1024x2xf32, #tpu.memory_space<vmem>>, vector<1024x1xf32>
    %get3A_2 = arith.constant 0 : index
    %get3A_3 = arith.constant 1 : index
    %get3A_4 = vector.load %arg2[%get3A_2, %get3A_3] : memref<1024x2xf32, #tpu.memory_space<vmem>>, vector<1024x1xf32>
    %add3A = arith.addf %get3A_1, %get3A_4 : vector<1024x1xf32>
    %add3A_5 = arith.constant 1.000000e+00 : f32
    %add3A_6 = vector.broadcast %add3A_5 : f32 to vector<1024x1xf32>
    %add3A_7 = arith.addf %add3A, %add3A_6 : vector<1024x1xf32>
    %rsqrt3A = math.rsqrt %add3A_7 : vector<1024x1xf32>
    %get3A_8 = arith.constant 0 : index
    %get3A_9 = arith.constant 0 : index
    %get3A_10 = vector.load %arg1[%get3A_8, %get3A_9] : memref<1024x128xf32, #tpu.memory_space<vmem>>, vector<1024x128xf32>
    %mul3A = vector.broadcast %rsqrt3A : vector<1024x1xf32> to vector<1024x128xf32>
    %mul3A_11 = arith.mulf %get3A_10, %mul3A : vector<1024x128xf32>
    %swap3A = arith.constant 0 : index
    %swap3A_12 = arith.constant 0 : index
    %swap3A_13 = vector.load %arg3[%swap3A, %swap3A_12] : memref<1024x128xf32, #tpu.memory_space<vmem>>, vector<1024x128xf32>
    tpu.vector_store %arg3[%swap3A, %swap3A_12], %mul3A_11 {strides = array<i32>} : memref<1024x128xf32, #tpu.memory_space<vmem>>, vector<1024x128xf32>,
    %swap3A_14 = arith.constant 0 : index
    %swap3A_15 = arith.constant 0 : index
    %swap3A_16 = vector.load %arg4[%swap3A_14, %swap3A_15] : memref<1024x1xf32, #tpu.memory_space<vmem>>, vector<1024x1xf32>
    tpu.vector_store %arg4[%swap3A_14, %swap3A_15], %rsqrt3A {strides = array<i32>} : memref<1024x1xf32, #tpu.memory_space<vmem>>, vector<1024x1xf32>,
    return
  }
  func.func @transform_0(%arg0: i32) -> (i32, i32) {
    %c0_i32 = arith.constant 0 : i32
    %c0_i32_0 = arith.constant 0 : i32
    return %arg0, %c0_i32 : i32, i32
  }
  func.func @transform_1(%arg0: i32) -> (i32, i32) {
    %c0_i32 = arith.constant 0 : i32
    %c0_i32_0 = arith.constant 0 : i32
    return %arg0, %c0_i32 : i32, i32
  }
  func.func @transform_2(%arg0: i32) -> (i32, i32) {
    %c0_i32 = arith.constant 0 : i32
    %c0_i32_0 = arith.constant 0 : i32
    return %arg0, %c0_i32 : i32, i32
  }
  func.func @transform_3(%arg0: i32) -> (i32, i32) {
    %c0_i32 = arith.constant 0 : i32
    %c0_i32_0 = arith.constant 0 : i32
    return %arg0, %c0_i32 : i32, i32
  }
}

module attributes {stable_mosaic.version = 14 : i64} {
  func.func @_post_body(%arg0: i32, %arg1: memref<1024x128xf32, #tpu.memory_space<vmem>>, %arg2: memref<1024x128xf32, #tpu.memory_space<vmem>>, %arg3: memref<1024x128xf32, #tpu.memory_space<vmem>>, %arg4: memref<1024x1xf32, #tpu.memory_space<vmem>>, %arg5: memref<1x128xf32, #tpu.memory_space<vmem>>, %arg6: memref<1x128xf32, #tpu.memory_space<vmem>>, %arg7: memref<1x128xf32, #tpu.memory_space<vmem>>, %arg8: memref<1024x128xf32, #tpu.memory_space<vmem>>, %arg9: memref<10240x128xf32, #tpu.memory_space<vmem>>, %arg10: memref<2x128xf32, #tpu.memory_space<vmem>>) attributes {dimension_semantics = [#tpu.dimension_semantics<arbitrary>], iteration_bounds = array<i64: 20>, scalar_prefetch = 0 : i64, scratch_operands = 2 : i64, tpu.core_type = #tpu.core_type<tc>, window_params = [{transform_indices = @transform_0, window_bounds = array<i64: 1024, 128>}, {transform_indices = @transform_1, window_bounds = array<i64: 1024, 128>}, {transform_indices = @transform_2, window_bounds = array<i64: 1024, 128>}, {transform_indices = @transform_3, window_bounds = array<i64: 1024, 1>}, {pipeline_mode = #tpu.pipeline_mode<synchronous>, transform_indices = @transform_4, window_bounds = array<i64: 1, 128>}, {pipeline_mode = #tpu.pipeline_mode<synchronous>, transform_indices = @transform_5, window_bounds = array<i64: 1, 128>}, {pipeline_mode = #tpu.pipeline_mode<synchronous>, transform_indices = @transform_6, window_bounds = array<i64: 1, 128>}, {transform_indices = @transform_7, window_bounds = array<i64: 1024, 128>}]} {
    %eq3A = arith.constant 0 : i32
    %eq3A_0 = arith.cmpi eq, %arg0, %eq3A : i32
    %convert_element_type3A = arith.extui %eq3A_0 : i1 to i32
    %cond3A = arith.constant 0 : i32
    %cond3A_1 = arith.cmpi ne, %convert_element_type3A, %cond3A : i32
    scf.if %cond3A_1 {
      %broadcast_in_dim3A = arith.constant 0.000000e+00 : f32
      %broadcast_in_dim3A_10 = vector.broadcast %broadcast_in_dim3A : f32 to vector<2x128xf32>
      %swap3A = arith.constant 0 : index
      %swap3A_11 = arith.constant 0 : index
      %swap3A_12 = vector.load %arg10[%swap3A, %swap3A_11] : memref<2x128xf32, #tpu.memory_space<vmem>>, vector<2x128xf32>
      tpu.vector_store %arg10[%swap3A, %swap3A_11], %broadcast_in_dim3A_10 {strides = array<i32>} : memref<2x128xf32, #tpu.memory_space<vmem>>, vector<2x128xf32>,
    } else {
    }
    %lt3A = arith.constant 10 : i32
    %lt3A_2 = arith.cmpi slt, %arg0, %lt3A : i32
    %convert_element_type3A_3 = arith.extui %lt3A_2 : i1 to i32
    %cond3A_4 = arith.constant 0 : i32
    %cond3A_5 = arith.cmpi ne, %convert_element_type3A_3, %cond3A_4 : i32
    scf.if %cond3A_5 {
      %get3A = arith.constant 0 : index
      %get3A_10 = arith.constant 0 : index
      %get3A_11 = vector.load %arg1[%get3A, %get3A_10] : memref<1024x128xf32, #tpu.memory_space<vmem>>, vector<1024x128xf32>
      %get3A_12 = arith.constant 0 : index
      %get3A_13 = arith.constant 0 : index
      %get3A_14 = vector.load %arg2[%get3A_12, %get3A_13] : memref<1024x128xf32, #tpu.memory_space<vmem>>, vector<1024x128xf32>
      %add3A = arith.addf %get3A_11, %get3A_14 : vector<1024x128xf32>
      %get3A_15 = arith.constant 0 : index
      %get3A_16 = arith.constant 0 : index
      %get3A_17 = vector.load %arg3[%get3A_15, %get3A_16] : memref<1024x128xf32, #tpu.memory_space<vmem>>, vector<1024x128xf32>
      %add3A_18 = arith.addf %add3A, %get3A_17 : vector<1024x128xf32>
      %get3A_19 = arith.constant 0 : index
      %get3A_20 = arith.constant 0 : index
      %get3A_21 = vector.load %arg4[%get3A_19, %get3A_20] : memref<1024x1xf32, #tpu.memory_space<vmem>>, vector<1024x1xf32>
      %mul3A = vector.broadcast %get3A_21 : vector<1024x1xf32> to vector<1024x128xf32>
      %mul3A_22 = arith.mulf %add3A_18, %mul3A : vector<1024x128xf32>
      %get3A_23 = arith.constant 0 : index
      %get3A_24 = arith.constant 0 : index
      %get3A_25 = vector.load %arg5[%get3A_23, %get3A_24] : memref<1x128xf32, #tpu.memory_space<vmem>>, vector<1x128xf32>
      %add3A_26 = vector.broadcast %get3A_25 : vector<1x128xf32> to vector<1024x128xf32>
      %add3A_27 = arith.addf %mul3A_22, %add3A_26 : vector<1024x128xf32>
      %gt3A = arith.constant 0.000000e+00 : f32
      %gt3A_28 = vector.broadcast %gt3A : f32 to vector<1024x128xf32>
      %gt3A_29 = arith.cmpf ogt, %add3A_27, %gt3A_28 : vector<1024x128xf32>
      %mul3A_30 = arith.constant 0.00999999977 : f32
      %mul3A_31 = vector.broadcast %mul3A_30 : f32 to vector<1024x128xf32>
      %mul3A_32 = arith.mulf %mul3A_31, %add3A_27 : vector<1024x128xf32>
      %select_n3A = arith.select %gt3A_29, %add3A_27, %mul3A_32 : vector<1024x128xi1>, vector<1024x128xf32>
      %mul3A_33 = arith.constant 1024 : i32
      %mul3A_34 = arith.muli %arg0, %mul3A_33 : i32
      %iota3A = tpu.iota {dimensions = array<i32: 0>} : vector<1024x128xi32>
      %add3A_35 = vector.broadcast %mul3A_34 : i32 to vector<1024x128xi32>
      %add3A_36 = arith.addi %add3A_35, %iota3A : vector<1024x128xi32>
      %lt3A_37 = arith.constant 10000 : i32
      %lt3A_38 = vector.broadcast %lt3A_37 : i32 to vector<1024x128xi32>
      %lt3A_39 = arith.cmpi slt, %add3A_36, %lt3A_38 : vector<1024x128xi32>
      %jit3A = arith.constant 0.000000e+00 : f32
      %broadcast_in_dim3A = vector.broadcast %jit3A : f32 to vector<1024x128xf32>
      %select_n3A_40 = arith.select %lt3A_39, %select_n3A, %broadcast_in_dim3A : vector<1024x128xi1>, vector<1024x128xf32>
      %mul3A_41 = arith.constant 1024 : i32
      %mul3A_42 = arith.muli %arg0, %mul3A_41 : i32
      %multiple_of3A = tpu.assume_multiple %mul3A_42, 1024 : i32
      %swap3A = arith.index_cast %multiple_of3A : i32 to index
      %swap3A_43 = arith.constant 0 : index
      %swap3A_44 = vector.load %arg9[%swap3A, %swap3A_43] : memref<10240x128xf32, #tpu.memory_space<vmem>>, vector<1024x128xf32>
      tpu.vector_store %arg9[%swap3A, %swap3A_43], %select_n3A_40 {strides = array<i32>} : memref<10240x128xf32, #tpu.memory_space<vmem>>, vector<1024x128xf32>,
      %get3A_45 = arith.constant 0 : index
      %get3A_46 = arith.constant 0 : index
      %get3A_47 = vector.load %arg10[%get3A_45, %get3A_46] : memref<2x128xf32, #tpu.memory_space<vmem>>, vector<1x128xf32>
      %reduce_sum3A = arith.constant dense<0.000000e+00> : vector<128xf32>
      %reduce_sum3A_48 = vector.multi_reduction <add>, %select_n3A_40, %reduce_sum3A [0] : vector<1024x128xf32> to vector<128xf32>
      %broadcast_in_dim3A_49 = vector.shape_cast %reduce_sum3A_48 : vector<128xf32> to vector<1x128xf32>
      %add3A_50 = arith.addf %get3A_47, %broadcast_in_dim3A_49 : vector<1x128xf32>
      %swap3A_51 = arith.constant 0 : index
      %swap3A_52 = arith.constant 0 : index
      %swap3A_53 = vector.load %arg10[%swap3A_51, %swap3A_52] : memref<2x128xf32, #tpu.memory_space<vmem>>, vector<1x128xf32>
      tpu.vector_store %arg10[%swap3A_51, %swap3A_52], %add3A_50 {strides = array<i32>} : memref<2x128xf32, #tpu.memory_space<vmem>>, vector<1x128xf32>,
      %get3A_54 = arith.constant 1 : index
      %get3A_55 = arith.constant 0 : index
      %get3A_56 = vector.load %arg10[%get3A_54, %get3A_55] : memref<2x128xf32, #tpu.memory_space<vmem>>, vector<1x128xf32>
      %mul3A_57 = arith.mulf %select_n3A_40, %select_n3A_40 : vector<1024x128xf32>
      %reduce_sum3A_58 = arith.constant dense<0.000000e+00> : vector<128xf32>
      %reduce_sum3A_59 = vector.multi_reduction <add>, %mul3A_57, %reduce_sum3A_58 [0] : vector<1024x128xf32> to vector<128xf32>
      %broadcast_in_dim3A_60 = vector.shape_cast %reduce_sum3A_59 : vector<128xf32> to vector<1x128xf32>
      %add3A_61 = arith.addf %get3A_56, %broadcast_in_dim3A_60 : vector<1x128xf32>
      %swap3A_62 = arith.constant 1 : index
      %swap3A_63 = arith.constant 0 : index
      %swap3A_64 = vector.load %arg10[%swap3A_62, %swap3A_63] : memref<2x128xf32, #tpu.memory_space<vmem>>, vector<1x128xf32>
      tpu.vector_store %arg10[%swap3A_62, %swap3A_63], %add3A_61 {strides = array<i32>} : memref<2x128xf32, #tpu.memory_space<vmem>>, vector<1x128xf32>,
    } else {
    }
    %ge3A = arith.constant 10 : i32
    %ge3A_6 = arith.cmpi sge, %arg0, %ge3A : i32
    %convert_element_type3A_7 = arith.extui %ge3A_6 : i1 to i32
    %cond3A_8 = arith.constant 0 : i32
    %cond3A_9 = arith.cmpi ne, %convert_element_type3A_7, %cond3A_8 : i32
    scf.if %cond3A_9 {
      %sub3A = arith.constant 10 : i32
      %sub3A_10 = arith.subi %arg0, %sub3A : i32
      %get3A = arith.constant 0 : index
      %get3A_11 = arith.constant 0 : index
      %get3A_12 = vector.load %arg10[%get3A, %get3A_11] : memref<2x128xf32, #tpu.memory_space<vmem>>, vector<1x128xf32>
      %mul3A = arith.constant 9.99999974E-5 : f32
      %mul3A_13 = vector.broadcast %mul3A : f32 to vector<1x128xf32>
      %mul3A_14 = arith.mulf %get3A_12, %mul3A_13 : vector<1x128xf32>
      %get3A_15 = arith.constant 1 : index
      %get3A_16 = arith.constant 0 : index
      %get3A_17 = vector.load %arg10[%get3A_15, %get3A_16] : memref<2x128xf32, #tpu.memory_space<vmem>>, vector<1x128xf32>
      %mul3A_18 = arith.constant 9.99999974E-5 : f32
      %mul3A_19 = vector.broadcast %mul3A_18 : f32 to vector<1x128xf32>
      %mul3A_20 = arith.mulf %get3A_17, %mul3A_19 : vector<1x128xf32>
      %mul3A_21 = arith.mulf %mul3A_14, %mul3A_14 : vector<1x128xf32>
      %sub3A_22 = arith.subf %mul3A_20, %mul3A_21 : vector<1x128xf32>
      %add3A = arith.constant 9.99999974E-6 : f32
      %add3A_23 = vector.broadcast %add3A : f32 to vector<1x128xf32>
      %add3A_24 = arith.addf %sub3A_22, %add3A_23 : vector<1x128xf32>
      %rsqrt3A = math.rsqrt %add3A_24 : vector<1x128xf32>
      %mul3A_25 = arith.constant 1024 : i32
      %mul3A_26 = arith.muli %sub3A_10, %mul3A_25 : i32
      %multiple_of3A = tpu.assume_multiple %mul3A_26, 1024 : i32
      %get3A_27 = arith.index_cast %multiple_of3A : i32 to index
      %get3A_28 = arith.constant 0 : index
      %get3A_29 = vector.load %arg9[%get3A_27, %get3A_28] : memref<10240x128xf32, #tpu.memory_space<vmem>>, vector<1024x128xf32>
      %sub3A_30 = vector.broadcast %mul3A_14 : vector<1x128xf32> to vector<1024x128xf32>
      %sub3A_31 = arith.subf %get3A_29, %sub3A_30 : vector<1024x128xf32>
      %get3A_32 = arith.constant 0 : index
      %get3A_33 = arith.constant 0 : index
      %get3A_34 = vector.load %arg6[%get3A_32, %get3A_33] : memref<1x128xf32, #tpu.memory_space<vmem>>, vector<1x128xf32>
      %mul3A_35 = arith.mulf %rsqrt3A, %get3A_34 : vector<1x128xf32>
      %mul3A_36 = vector.broadcast %mul3A_35 : vector<1x128xf32> to vector<1024x128xf32>
      %mul3A_37 = arith.mulf %sub3A_31, %mul3A_36 : vector<1024x128xf32>
      %get3A_38 = arith.constant 0 : index
      %get3A_39 = arith.constant 0 : index
      %get3A_40 = vector.load %arg7[%get3A_38, %get3A_39] : memref<1x128xf32, #tpu.memory_space<vmem>>, vector<1x128xf32>
      %add3A_41 = vector.broadcast %get3A_40 : vector<1x128xf32> to vector<1024x128xf32>
      %add3A_42 = arith.addf %mul3A_37, %add3A_41 : vector<1024x128xf32>
      %swap3A = arith.constant 0 : index
      %swap3A_43 = arith.constant 0 : index
      %swap3A_44 = vector.load %arg8[%swap3A, %swap3A_43] : memref<1024x128xf32, #tpu.memory_space<vmem>>, vector<1024x128xf32>
      tpu.vector_store %arg8[%swap3A, %swap3A_43], %add3A_42 {strides = array<i32>} : memref<1024x128xf32, #tpu.memory_space<vmem>>, vector<1024x128xf32>,
    } else {
    }
    return
  }
  func.func @transform_0(%arg0: i32) -> (i32, i32) {
    %min3A = arith.constant 9 : i32
    %min3A_0 = arith.minsi %arg0, %min3A : i32
    %c0_i32 = arith.constant 0 : i32
    %c0_i32_1 = arith.constant 0 : i32
    return %min3A_0, %c0_i32 : i32, i32
  }
  func.func @transform_1(%arg0: i32) -> (i32, i32) {
    %min3A = arith.constant 9 : i32
    %min3A_0 = arith.minsi %arg0, %min3A : i32
    %c0_i32 = arith.constant 0 : i32
    %c0_i32_1 = arith.constant 0 : i32
    return %min3A_0, %c0_i32 : i32, i32
  }
  func.func @transform_2(%arg0: i32) -> (i32, i32) {
    %min3A = arith.constant 9 : i32
    %min3A_0 = arith.minsi %arg0, %min3A : i32
    %c0_i32 = arith.constant 0 : i32
    %c0_i32_1 = arith.constant 0 : i32
    return %min3A_0, %c0_i32 : i32, i32
  }
  func.func @transform_3(%arg0: i32) -> (i32, i32) {
    %min3A = arith.constant 9 : i32
    %min3A_0 = arith.minsi %arg0, %min3A : i32
    %c0_i32 = arith.constant 0 : i32
    %c0_i32_1 = arith.constant 0 : i32
    return %min3A_0, %c0_i32 : i32, i32
  }
  func.func @transform_4(%arg0: i32) -> (i32, i32) {
    %c0_i32 = arith.constant 0 : i32
    %c0_i32_0 = arith.constant 0 : i32
    %c0_i32_1 = arith.constant 0 : i32
    return %c0_i32, %c0_i32_0 : i32, i32
  }
  func.func @transform_5(%arg0: i32) -> (i32, i32) {
    %c0_i32 = arith.constant 0 : i32
    %c0_i32_0 = arith.constant 0 : i32
    %c0_i32_1 = arith.constant 0 : i32
    return %c0_i32, %c0_i32_0 : i32, i32
  }
  func.func @transform_6(%arg0: i32) -> (i32, i32) {
    %c0_i32 = arith.constant 0 : i32
    %c0_i32_0 = arith.constant 0 : i32
    %c0_i32_1 = arith.constant 0 : i32
    return %c0_i32, %c0_i32_0 : i32, i32
  }
  func.func @transform_7(%arg0: i32) -> (i32, i32) {
    %sub3A = arith.constant 10 : i32
    %sub3A_0 = arith.subi %arg0, %sub3A : i32
    %max3A = arith.constant 0 : i32
    %max3A_1 = arith.maxsi %sub3A_0, %max3A : i32
    %c0_i32 = arith.constant 0 : i32
    %c0_i32_2 = arith.constant 0 : i32
    return %max3A_1, %c0_i32 : i32, i32
  }
}

</mosaic_0001>

<sc_bundles>
// kernel: kernel.10.cloned.1.call-start
scs
__scs_entry_jumppad:
0x0: {  	(pc) =	sbr.rel $0x88, $3  }
0x1: {  	(tag) =	ssettag $0x0;
	lr =	simm.s32 $0x1  }
0x2: {  	[smem:$0x3F9B] =	sst lr;
	_ =	strace $0xD0000000  }
0x3: {  	_ = 	snop  }
0x4: {  	_ = 	snop  }
0x5: {  	_ = 	snop  }
0x6: {  	_ = 	snop  }
0x7: {  	_ = 	snop  }
__scs_overlays_trampoline_lowered:
0x8: {  	[smem:$0x3FAA] =	sst s0  }
0x9: {  	[smem:$0x3FAB] =	sst s1  }
0xa: {  	[smem:$0x3FAC] =	sst s2  }
0xb: {  	[smem:$0x3FAD] =	sst s3  }
0xc: {  	[smem:$0x3FAE] =	sst s4  }
0xd: {  	[smem:$0x3FAF] =	sst s5  }
0xe: {  	[smem:$0x3FB0] =	sst s6  }
0xf: {  	[smem:$0x3FB1] =	sst s7  }
0x10: {  	[smem:$0x3FB2] =	sst s8  }
0x11: {  	[smem:$0x3FB3] =	sst s9;
	s0 =	simm.s32 @!p0 $0x0  }
0x12: {  	s1 =	sld [smem:$0x3F99];
	s0 =	simm.s32 @p0 $0x1  }
0x13: {  	[smem:$0x3FB4] =	sst s0;
	s0 =	simm.s32 @!p1 $0x0  }
0x14: {  	s2 =	sld [smem:$0x3F98];
	s0 =	simm.s32 @p1 $0x1  }
0x15: {  	[smem:$0x3FB5] =	sst s0;
	s0 =	simm.s32 @!p2 $0x0  }
0x16: {  	s3 =	sld [smem:$0x3FDB];
	s0 =	simm.s32 @p2 $0x1  }
0x17: {  	s4 =	simm.s32 $0x1BF5;
	[smem:$0x3FB7] =	sst s0  }
0x18: {  	s0 =	sld [smem:$0x3F9A];
	_ =	swait.ge [sflag:s4], $0x0  }
0x19: {  	s7 =	sld [smem:$0x3F9B]  }
0x1a: {  	s8 =	sadd.s32 $0xFFFFE003, lr  }
0x1b: {  	s9 =	sadd.s32 $0xFFFFFEF7, lr;
	s5 =	simm.s32 $0xFFFFFFFF;
	p2 =	slt.u32 s8, $0xFFFFF086  }
0x1c: {  	p1 =	slt.u32 s9, $0xF7A;
	s5 =	simm.s32 @!p2 $0x0  }
0x1d: {  	s5 =	simm.s32 @p1 $0x1;
	p0 =	seq.s32 s7, s2  }
0x1e: {  	s7 =	smul.u32 @!p0 $0xF7A, s2;
	p2 =	seq.s32 @!p0 s5, $0x0  }
0x1f: {  	s9 =	smul.u32 $0xF7A, s1;
	s8 =	simm.s32 @!p0 $0x1BF5;
	p2 =	por !p2, p0  }
0x20: {  	[sflag:s8] =	ssyncset.s32 @!p0 $0xFFFFF086;
	s6 =	sadd.s32 @!p0 s3, s7;
	s7 =	simm.s32 @!p0 $0x108  }
0x21: {  	s3 =	sadd.s32 s3, s9;
	s6 =	sadd.s32 @!p0 $0x88, s6;
	s7 =	simm.s32 @p2 $0x1082  }
0x22: {  	[simem:s7], [sflag:s8] =	dma.local @!p0 [hbm:s6], $0xF7A  }
0x23: {  	s9 =	sor.u32 $0xD0000000, s2;
	s6 =	simm.s32 $0x108;
	_ =	swait.ge @!p0 [sflag:s8], $0x0  }
0x24: {  	s3 =	sadd.s32 $0x88, s3;
	s6 =	simm.s32 @!p1 $0x1082;
	[sflag:s4] =	ssyncset.s32 $0xFFFFF086  }
0x25: {  	[simem:s6], [sflag:s4] =	dma.local [hbm:s3], $0xF7A  }
0x26: {  	[smem:$0x3F9B] =	sst s1;
	(tag) =	ssettag s2;
	_ =	strace s9  }
0x27: {  	s1 =	sld [smem:$0x3FAB]  }
0x28: {  	s2 =	sld [smem:$0x3FAC]  }
0x29: {  	s4 =	sld [smem:$0x3FAE]  }
0x2a: {  	p0 =	seq.s32 s5, $0x0;
	s5 =	sld [smem:$0x3FAF]  }
0x2b: {  	s6 =	sld [smem:$0x3FB0]  }
0x2c: {  	s7 =	sld [smem:$0x3FB1]  }
0x2d: {  	s3 =	simm.s32 $0x108;
	s8 =	sld [smem:$0x3FB2]  }
0x2e: {  	s3 =	simm.s32 @!p0 $0x1082;
	s9 =	sld [smem:$0x3FB3]  }
0x2f: {  	lr =	sadd.s32 s0, s3;
	s0 =	sld [smem:$0x3FAA]  }
0x30: {  	s3 =	sld [smem:$0x3FAD]  }
0x31: {  	[smem:$0x3FB6] =	sst s10  }
0x32: {  	s10 =	sld [smem:$0x3FB4];
	_ =	sdelay $0x3  }
0x33: {  	p0 =	seq.s32 s10, $0x1;
	s10 =	sld [smem:$0x3FB6];
	_ =	sdelay $0x3  }
0x34: {  	[smem:$0x3FB6] =	sst s10  }
0x35: {  	s10 =	sld [smem:$0x3FB5];
	_ =	sdelay $0x3  }
0x36: {  	p1 =	seq.s32 s10, $0x1;
	s10 =	sld [smem:$0x3FB6];
	_ =	sdelay $0x3  }
0x37: {  	[smem:$0x3FB6] =	sst s10  }
0x38: {  	s10 =	sld [smem:$0x3FB7]  }
0x39: {  	_ = 	snop;
	(pc) =	sbr.ind lr, $3  }
0x3a: {  	_ = 	snop  }
0x3b: {  	_ = 	snop  }
0x3c: {  	p2 =	seq.s32 s10, $0x1;
	s10 =	sld [smem:$0x3FB6]  }
0x3d: {  	_ =	shalt  }
0x3e: {  	_ =	shalt  }
0x3f: {  	_ =	shalt  }
0x40: {  	_ =	shalt  }
0x41: {  	_ =	shalt  }
0x42: {  	_ =	shalt  }
0x43: {  	_ =	shalt  }
0x44: {  	_ =	shalt  }
0x45: {  	_ =	shalt  }
0x46: {  	_ =	shalt  }
0x47: {  	_ =	shalt  }
0x48: {  	_ =	shalt  }
0x49: {  	_ =	shalt  }
0x4a: {  	_ =	shalt  }
0x4b: {  	_ =	shalt  }
0x4c: {  	_ =	shalt  }
0x4d: {  	_ =	shalt  }
0x4e: {  	_ =	shalt  }
0x4f: {  	_ =	shalt  }
0x50: {  	_ =	shalt  }
0x51: {  	_ =	shalt  }
0x52: {  	_ =	shalt  }
0x53: {  	_ =	shalt  }
0x54: {  	_ =	shalt  }
0x55: {  	_ =	shalt  }
0x56: {  	_ =	shalt  }
0x57: {  	_ =	shalt  }
0x58: {  	_ =	shalt  }
0x59: {  	_ =	shalt  }
0x5a: {  	_ =	shalt  }
0x5b: {  	_ =	shalt  }
0x5c: {  	_ =	shalt  }
0x5d: {  	_ =	shalt  }
0x5e: {  	_ =	shalt  }
0x5f: {  	_ =	shalt  }
0x60: {  	_ =	shalt  }
0x61: {  	_ =	shalt  }
0x62: {  	_ =	shalt  }
0x63: {  	_ =	shalt  }
0x64: {  	_ =	shalt  }
0x65: {  	_ =	shalt  }
0x66: {  	_ =	shalt  }
0x67: {  	_ =	shalt  }
0x68: {  	_ =	shalt  }
0x69: {  	_ =	shalt  }
0x6a: {  	_ =	shalt  }
0x6b: {  	_ =	shalt  }
0x6c: {  	_ =	shalt  }
0x6d: {  	_ =	shalt  }
0x6e: {  	_ =	shalt  }
0x6f: {  	_ =	shalt  }
0x70: {  	_ =	shalt  }
0x71: {  	_ =	shalt  }
0x72: {  	_ =	shalt  }
0x73: {  	_ =	shalt  }
0x74: {  	_ =	shalt  }
0x75: {  	_ =	shalt  }
0x76: {  	_ =	shalt  }
0x77: {  	_ =	shalt  }
0x78: {  	_ =	shalt  }
0x79: {  	_ =	shalt  }
0x7a: {  	_ =	shalt  }
0x7b: {  	_ =	shalt  }
0x7c: {  	_ =	shalt  }
0x7d: {  	_ =	shalt  }
0x7e: {  	_ =	shalt  }
0x7f: {  	_ =	shalt  }
0x80: {  	_ =	shalt  }
0x81: {  	_ =	shalt  }
0x82: {  	_ =	shalt  }
0x83: {  	_ =	shalt  }
0x84: {  	_ =	shalt  }
0x85: {  	_ =	shalt  }
0x86: {  	_ =	shalt  }
0x87: {  	_ =	shalt  }
.Lfunc_end0:
.L_simem_size_0:
called_computation.1_lowered:
.L_overlay_start_0:
0x88: {  	s2 =	sld [smem:$0x3FD9]  }
0x89: {  	s3 =	sld [smem:$0x3FFE];
	_ =	sdelay $0x1  }
0x8a: {  	s1 =	srdreg.scid  }
0x8b: {  	s0 =	sand.u32 $0x1, s1  }
0x8c: {  	s17 =	sshll.u32 s0, $0xA;
	s2 =	sadd.s32 s3, s2  }
0x8d: {  	s2 =	sadd.s32 s2, s17  }
0x8e: {  	[smem:$0x3FC2] =	sst s2  }
0x8f: {  	_ = 	snop  }
0x90: {  	s2 =	sld [smem:$0x3FD0];
	(tm) =	ssettm $0x1  }
0x91: {  	s18 =	sld [smem:$0x3FFB];
	_ =	sdelay $0x3  }
0x92: {  	_ =	strace s18  }
0x93: {  	s3 =	sld [smem:$0x3FFC];
	_ =	sdelay $0x3  }
0x94: {  	_ =	strace s3  }
0x95: {  	s3 =	sld [smem:$0x3FFD];
	_ =	sdelay $0x3  }
0x96: {  	_ =	strace s3  }
0x97: {  	_ =	strace $0x8FFFFFFF  }
0x98: {  	s19 =	sld [smem:$0x3FDB];
	_ =	sdelay $0x1  }
0x99: {  	s4 =	simm.s32 $_scs_section_size  }
0x9a: {  	s5 =	simm.s32 $_size__tile_overlayer_lowered;
	s6 =	simm.s32 $_tile_overlayer_lowered  }
0x9b: {  	s22 =	simm.s32 $0x1BFF;
	s21 =	sshll.u32 s6, $0x1;
	s3 =	sadd.s32 s4, s19  }
0x9c: {  	s7 =	simm.s32 $0x0;
	s20 =	sshll.u32 s5, $0x1;
	s5 =	sadd.s32 s21, s3  }
0x9d: {  	[timem:s7], [sflag:s22] =	dma.local [hbm:s5], s20  }
0x9e: {  	_ =	swait.ge [sflag:s22], s20  }
0x9f: {  	s4 =	ssub.s32 $0x0, s20;
	[sflag:s22] =	ssyncset.done $0x0  }
0xa0: {  	[sflag:s22] =	ssyncadd.s32 s4;
	_ =	sdelay $0x1  }
0xa1: {  	s23 =	simm.s32 $0x1B8B  }
0xa2: {  	_ =	swait.ge [sflag:s23], $0x1  }
0xa3: {  	[sflag:s23] =	ssyncset.done $0x0  }
0xa4: {  	s25 =	simm.s32 $0x1B8E;
	s24 =	sld [smem:$0x3FFE];
	[sflag:s23] =	ssyncadd.s32 $0xFFFFFFFF  }
0xa5: {  	s26 =	simm.s32 $execute0_lowered;
	[smem:$0x3FD2] =	sst s25  }
0xa6: {  	s5 =	sshll.u32 s26, $0x1;
	_ =	strace $0x80000049;
	[dreg:$0x1] =	wrdreg $0xFFFFFFFF  }
0xa7: {  	s28 =	simm.s32 $_size_execute0_lowered;
	s3 =	sadd.s32 s3, s5;
	[dreg:$0x0] =	wrdreg $0x0  }
0xa8: {  	s5 =	sshll.u32 s28, $0x1;
	[dreg:$0x2] =	wrdreg s3  }
0xa9: {  	[dreg:$0x3] =	wrdreg s5  }
0xaa: {  	[dreg:$0x4] =	wrdreg $0xC0  }
0xab: {  	_ =	task [dreg:s7], $0x5FFFF  }
0xac: {  	[dreg:$0x1] =	wrdreg $0xFFFFFFFF  }
0xad: {  	[dreg:$0x0] =	wrdreg $0x60  }
0xae: {  	[dreg:$0x2] =	wrdreg s2  }
0xaf: {  	[dreg:$0x3] =	wrdreg s24  }
0xb0: {  	[dreg:$0x4] =	wrdreg $0x0  }
0xb1: {  	[dreg:$0x5] =	wrdreg $0x9  }
0xb2: {  	_ =	task.clear_ibuf [dreg:s7], $0x6FFFF;
	_ =	strace $0x90000049  }
0xb3: {  	s29 =	simm.s32 $0x9;
	_ =	strace $0x8000004B  }
0xb4: {  	_ =	swait.ge [sflag:s29], $0x1  }
0xb5: {  	[sflag:s29] =	ssyncadd.s32 $0xFFFFFFFF  }
0xb6: {  	_ =	strace $0x9000004B  }
0xb7: {  	_ =	sfence  }
0xb8: {  	s30 =	sld [smem:$0x0];
	_ =	sdelay $0x2  }
0xb9: {  	s31 =	sshll.u32 s1, $0xD;
	s1 =	sshrl.u32 s1, $0x2  }
0xba: {  	s3 =	sand.u32 $0x4000, s31;
	s1 =	sadd.s32 s1, s30  }
0xbb: {  	s0 =	sor.u32 s3, s0;
	s1 =	sshll.u32 s1, $0x11  }
0xbc: {  	s0 =	sor.u32 s1, s0  }
0xbd: {  	s0 =	sadd.s32 $0x8F2B, s0  }
0xbe: {  	[sflag:s0] =	ssyncadd.remote.s32 $0x1  }
0xbf: {  	_ =	sfence.sel $0xFFFF  }
0xc0: {  	[dreg:$0x0] =	wrdreg $0xFFFFFFFF;
	(pc) =	sbr.abs _section_cstart, $3  }
0xc1: {  	[dreg:$0x1] =	wrdreg $0xFFFFFFFF  }
0xc2: {  	_ =	task.clear_ibuf [dreg:s7], $0x2FFFF;
	_ =	strace $0x9FFFFFFF  }
0xc3: {  	(tm) =	ssettm $0x7FFFFFFF  }
tec
execute0_lowered:
.L_overlay_start_1:
0x0: {  	(tag) =	ssettag $0x1  }
0x1: {  	s0 =	rddreg [dreg:$0x0]  }
0x2: {  	s1 =	rddreg [dreg:$0x1]  }
0x3: {  	s3 =	rddreg [dreg:$0x2];
	s4 =	simm.s32 $0x0  }
0x4: {  	s19 =	simm.s32 $0x13900;
	[smem:$0x7FF] =	sst s4  }
0x5: {  	s20 =	simm.s32 $0x13980;
	_ =	strace $0x8000004A;
	[dreg:$0x6] =	wrdreg s19  }
0x6: {  	s21 =	simm.s32 $0x14900;
	[dreg:$0x7] =	wrdreg s20  }
0x7: {  	s22 =	simm.s32 $0x13A00;
	[dreg:$0x8] =	wrdreg s21  }
0x8: {  	s23 =	simm.s32 $0x14980;
	[dreg:$0x9] =	wrdreg s22  }
0x9: {  	s24 =	simm.s32 $0x13A80;
	[dreg:$0xa] =	wrdreg s23  }
0xa: {  	s25 =	simm.s32 $0x14A00;
	[dreg:$0xb] =	wrdreg s24  }
0xb: {  	s7 =	sadd.s32 $0x2B600, s1;
	[dreg:$0xc] =	wrdreg s25  }
0xc: {  	s8 =	simm.s32 $0x13B00;
	[smem:$0x7E8] =	sst s7  }
0xd: {  	s9 =	simm.s32 $0x14A80;
	[dreg:$0xd] =	wrdreg s8  }
0xe: {  	s11 =	simm.s32 $0x13B80;
	[dreg:$0xe] =	wrdreg s9  }
0xf: {  	s13 =	simm.s32 $0x14B00;
	[dreg:$0xf] =	wrdreg s11  }
0x10: {  	s2 =	srdreg.scid;
	s14 =	simm.s32 $0x13C00;
	[dreg:$0x10] =	wrdreg s13  }
0x11: {  	s10 =	stileid.u32;
	s15 =	simm.s32 $0x14B80;
	[dreg:$0x11] =	wrdreg s14  }
0x12: {  	s16 =	simm.s32 $0x13C80;
	s18 =	simm.s32 $0x14C00;
	[dreg:$0x12] =	wrdreg s15  }
0x13: {  	s28 =	simm.s32 $0x5;
	s29 =	simm.s32 $0x6;
	[dreg:$0x13] =	wrdreg s16  }
0x14: {  	s30 =	simm.s32 $0x14280;
	[dreg:$0x14] =	wrdreg s18;
	s19 =	simm.s32 $0x13D00  }
0x15: {  	s31 =	simm.s32 $0x15200;
	s20 =	simm.s32 $0x14C80;
	[dreg:$0x15] =	wrdreg s19  }
0x16: {  	s2 =	sand.u32 $0x1, s2;
	s21 =	simm.s32 $0x13D80;
	[dreg:$0x16] =	wrdreg s20  }
0x17: {  	s6 =	smul.u32 $0xA00, s10;
	s23 =	simm.s32 $0x14D00;
	[dreg:$0x17] =	wrdreg s21  }
0x18: {  	s26 =	smul.u32 $0x2800, s10;
	s25 =	simm.s32 $0x13E00;
	[dreg:$0x18] =	wrdreg s23  }
0x19: {  	p0 =	seq.s32 s10, $0xF;
	s13 =	simm.s32 $0x13F00;
	[dreg:$0x19] =	wrdreg s25  }
0x1a: {  	s5 =	smul.u32 $0xA000, s2;
	s14 =	simm.s32 $0x14E80;
	[dreg:$0x1d] =	wrdreg s13  }
0x1b: {  	s12 =	ssub.s32 $0x2, s2;
	s15 =	simm.s32 $0x13F80;
	[dreg:$0x1e] =	wrdreg s14  }
0x1c: {  	s9 =	smul.u32 $0x50000, s10;
	s16 =	simm.s32 $0x14F00;
	[dreg:$0x1f] =	wrdreg s15  }
0x1d: {  	p4 =	seq.s32 s2, $0x1;
	s18 =	simm.s32 $0x14F80;
	[smem:$0x7F3] =	sst s16  }
0x1e: {  	s8 =	sshrl.u32 s12, $0x1;
	s16 =	simm.s32 $0x13880;
	[smem:$0x7F5] =	sst s18  }
0x1f: {  	s19 =	simm.s32 $0x14080;
	s18 =	simm.s32 $0x14880;
	s20 =	simm.s32 $0x15000  }
0x20: {  	s21 =	simm.s32 $0x14100;
	s23 =	simm.s32 $0x14180;
	s25 =	simm.s32 $0x14200  }
0x21: {  	p1 =	por !p4, !p0;
	p2 =	por p4, !p0;
	[smem:$0x7F6] =	sst s19  }
0x22: {  	p3 =	por !p4, p0;
	p4 =	por p4, p0;
	[smem:$0x7F7] =	sst s20  }
0x23: {  	s13 =	simm.s32 $0x14480;
	s14 =	simm.s32 $0x15480;
	[smem:$0x7F8] =	sst s21  }
0x24: {  	s5 =	sadd.s32 s5, s1;
	s7 =	ssub.s32 s12, s8;
	[smem:$0x7FA] =	sst s23  }
0x25: {  	s17 =	sshrl.u32 s9, $0x2;
	s12 =	simm.s32 $0x14E00;
	[smem:$0x7FC] =	sst s25  }
0x26: {  	s9 =	sadd.s32 $0x12C000, s3;
	s19 =	simm.s32 $0x50;
	[dreg:$0x1c] =	wrdreg s12  }
0x27: {  	s20 =	simm.s32 $0x15880;
	s11 =	smax.u32 s7, $0x1;
	[smem:$0x7EE] =	sst s9  }
0x28: {  	s21 =	simm.s32 $0x18080;
	s2 =	sshrl.u32 @p0 s9, $0x3;
	[smem:$0x7ED] =	sst s11  }
0x29: {  	s23 =	simm.s32 $0x1A880;
	s8 =	sadd.s32 s17, s3;
	[smem:$0x7EF] =	sst s2  }
0x2a: {  	s5 =	sadd.s32 s6, s5;
	s17 =	simm.s32 $0x14000;
	[smem:$0x7F1] =	sst s8  }
0x2b: {  	s25 =	simm.s32 $0x4;
	s6 =	sadd.s32 $0x2800, s5;
	[smem:$0x7F4] =	sst s17  }
0x2c: {  	s9 =	simm.s32 $0x14380;
	s5 =	sadd.s32 $0x17600, s5;
	[dreg:$0x4] =	wrdreg s6  }
0x2d: {  	[dreg:$0x5] =	wrdreg s5;
	s6 =	sadd.s32 s26, s1;
	s26 =	sadd.s32 $0x53600, s1  }
0x2e: {  	s12 =	simm.s32 $0x15380;
	s1 =	sadd.s32 $0x7A800, s1;
	[smem:$0x7EB] =	sst s26  }
0x2f: {  	s2 =	sshll.u32 @!p0 s10, $0x6;
	s5 =	simm.s32 $0x14D80;
	[smem:$0x7EC] =	sst s1  }
0x30: {  	s7 =	simm.s32 $0x0;
	s2 =	sor.u32 @!p0 $0x1C07, s2;
	[dreg:$0x1a] =	wrdreg s5  }
0x31: {  	s17 =	simm.s32 $0x7;
	s22 =	sadd.s32 $0x2DE00, s6;
	[smem:$0x7F0] =	sst s2  }
0x32: {  	s10 =	simm.s32 $0x15300;
	s24 =	sadd.s32 $0x55000, s6;
	[smem:$0x7E9] =	sst s22  }
0x33: {  	s11 =	simm.s32 $0x14400;
	s6 =	simm.s32 $0x13E80;
	[smem:$0x7EA] =	sst s24  }
0x34: {  	s2 =	sshrl.u32 @!p0 s8, $0x3;
	s26 =	simm.s32 $0x15180;
	[dreg:$0x1b] =	wrdreg s6  }
0x35: {  	s8 =	simm.s32 $0x15280;
	s1 =	simm.s32 $0x15400;
	[smem:$0x7F2] =	sst s2  }
0x36: {  	s22 =	simm.s32 $0x15080;
	s24 =	simm.s32 $0x15100;
	[smem:$0x7FD] =	sst s26  }
0x37: {  	s26 =	simm.s32 $0x3;
	s2 =	simm.s32 $0x14300;
	[smem:$0x7F9] =	sst s22  }
0x38: {  	s22 =	simm.s32 $0x1;
	[smem:$0x7FB] =	sst s24;
	s24 =	simm.s32 $0x2  }
.LBB2_1:
0x39: {  	[smem:$0x7E7] =	sst s7  }
0x3a: {  	s6 =	sld [smem:$0x7E8]  }
0x3b: {  	s7 =	sld [smem:$0x7EF];
	_ =	sdelay $0x1  }
0x3c: {  	s5 =	simm.s32 @p0 $0x1FC7  }
0x3d: {  	[spmem:s7], [sflag:s5] =	dma.local @p0 [hbm:s6], $0x1900  }
0x3e: {  	s5 =	simm.s32 @p0 $0x7  }
0x3f: {  	_ =	swait.ge @p0 [sflag:s5], $0x1900  }
0x40: {  	[sflag:s5] =	ssyncset.done @p0 $0x0;
	s7 =	sld [smem:$0x7F2]  }
0x41: {  	[sflag:s5] =	ssyncadd.s32 @p0 $0xFFFFE700;
	s5 =	sld [smem:$0x7F0];
	_ =	sdelay $0x2  }
0x42: {  	[spmem:s7], [sflag:s5] =	dma.local @!p0 [hbm:s6], $0x2800  }
0x43: {  	s5 =	simm.s32 @!p0 $0x7  }
0x44: {  	_ =	swait.ge @!p0 [sflag:s5], $0x2800  }
0x45: {  	[sflag:s5] =	ssyncset.done @!p0 $0x0  }
0x46: {  	[sflag:s5] =	ssyncadd.s32 @!p0 $0xFFFFD800  }
0x47: {  	[bflag:$0x0] =	sbarrier.arrive $0xFFFF  }
0x48: {  	s6 =	rddreg [dreg:$0x5]  }
0x49: {  	s5 =	sadd.s32 $0x0, s6  }
0x4a: {  	[tilespmem:s16], [sflag:$0x7] =	stream.linear.gather [hbm4b:s5+s4], $0xC80, $0x38;
	[tilespmem:$0x1D080] =	vst v63  }
0x4b: {  	_ =	swait.ge [sflag:s17], $0xC80  }
0x4c: {  	s7 =	rddreg [dreg:$0x4];
	[sflag:s17] =	ssyncset.done $0x0  }
0x4d: {  	[sflag:s17] =	ssyncadd.s32 $0xFFFFF380;
	s5 =	sadd.s32 $0x0, s7  }
0x4e: {  	[tilespmem:s18], [sflag:$0x7] =	stream.linear.gather [hbm4b:s5+s4], $0xC80, $0x38;
	[tilespmem:$0x1D080] =	vst v63  }
0x4f: {  	_ =	swait.ge [sflag:s17], $0xC80  }
0x50: {  	[sflag:s17] =	ssyncset.done $0x0  }
0x51: {  	[sflag:s17] =	ssyncadd.s32 $0xFFFFF380  }
0x52: {  	[tilespmem:s20], [sflag:$0x1] =	stream.indirect.gather [hbm4b:s0+s19], $0x80, s16, s19, $0xb8;
	[tilespmem:$0x1D080] =	vst v63  }
0x53: {  	s15 =	rddreg [dreg:$0x6]  }
0x54: {  	[tilespmem:s21], [sflag:$0x2] =	stream.indirect.gather [hbm4b:s0+s19], $0x80, s15, s19, $0xb8;
	[tilespmem:$0x1D080] =	vst v63  }
0x55: {  	_ =	swait.ge [sflag:s22], $0x2800  }
0x56: {  	[sflag:s22] =	ssyncset.done $0x0  }
0x57: {  	[sflag:s22] =	ssyncadd.s32 $0xFFFFD800  }
0x58: {  	[spmem:s3] =	stream.indirect.scatter.add.f32 [tilespmem:s20], [sflag:$0x4], $0x80, s18, s19, $0xb8;
	[tilespmem:$0x1D080] =	vst v63  }
0x59: {  	s6 =	rddreg [dreg:$0x7]  }
0x5a: {  	[tilespmem:s23], [sflag:$0x3] =	stream.indirect.gather [hbm4b:s0+s19], $0x80, s6, s19, $0xb8;
	[tilespmem:$0x1D080] =	vst v63  }
0x5b: {  	_ =	swait.ge [sflag:s24], $0x2800  }
0x5c: {  	[sflag:s24] =	ssyncset.done $0x0  }
0x5d: {  	s7 =	rddreg [dreg:$0x8];
	[sflag:s24] =	ssyncadd.s32 $0xFFFFD800  }
0x5e: {  	[spmem:s3] =	stream.indirect.scatter.add.f32 [tilespmem:s21], [sflag:$0x5], $0x80, s7, s19, $0xb8;
	[tilespmem:$0x1D080] =	vst v63  }
0x5f: {  	_ =	swait.ge [sflag:s25], $0x2800  }
0x60: {  	[sflag:s25] =	ssyncset.done $0x0  }
0x61: {  	s15 =	rddreg [dreg:$0x9];
	[sflag:s25] =	ssyncadd.s32 $0xFFFFD800  }
0x62: {  	[tilespmem:s20], [sflag:$0x1] =	stream.indirect.gather [hbm4b:s0+s19], $0x80, s15, s19, $0xb8;
	[tilespmem:$0x1D080] =	vst v63  }
0x63: {  	_ =	swait.ge [sflag:s26], $0x2800  }
0x64: {  	[sflag:s26] =	ssyncset.done $0x0  }
0x65: {  	s6 =	rddreg [dreg:$0xa];
	[sflag:s26] =	ssyncadd.s32 $0xFFFFD800  }
0x66: {  	[spmem:s3] =	stream.indirect.scatter.add.f32 [tilespmem:s23], [sflag:$0x6], $0x80, s6, s19, $0xb8;
	[tilespmem:$0x1D080] =	vst v63  }
0x67: {  	_ =	swait.ge [sflag:s28], $0x2800  }
0x68: {  	[sflag:s28] =	ssyncset.done $0x0  }
0x69: {  	s7 =	rddreg [dreg:$0xb];
	[sflag:s28] =	ssyncadd.s32 $0xFFFFD800  }
0x6a: {  	[tilespmem:s21], [sflag:$0x2] =	stream.indirect.gather [hbm4b:s0+s19], $0x80, s7, s19, $0xb8;
	[tilespmem:$0x1D080] =	vst v63  }
0x6b: {  	_ =	swait.ge [sflag:s22], $0x2800  }
0x6c: {  	[sflag:s22] =	ssyncset.done $0x0  }
0x6d: {  	s15 =	rddreg [dreg:$0xc];
	[sflag:s22] =	ssyncadd.s32 $0xFFFFD800  }
0x6e: {  	[spmem:s3] =	stream.indirect.scatter.add.f32 [tilespmem:s20], [sflag:$0x4], $0x80, s15, s19, $0xb8;
	[tilespmem:$0x1D080] =	vst v63  }
0x6f: {  	_ =	swait.ge [sflag:s29], $0x2800  }
0x70: {  	[sflag:s29] =	ssyncset.done $0x0  }
0x71: {  	s6 =	rddreg [dreg:$0xd];
	[sflag:s29] =	ssyncadd.s32 $0xFFFFD800  }
0x72: {  	[tilespmem:s23], [sflag:$0x3] =	stream.indirect.gather [hbm4b:s0+s19], $0x80, s6, s19, $0xb8;
	[tilespmem:$0x1D080] =	vst v63  }
0x73: {  	_ =	swait.ge [sflag:s24], $0x2800  }
0x74: {  	[sflag:s24] =	ssyncset.done $0x0  }
0x75: {  	s7 =	rddreg [dreg:$0xe];
	[sflag:s24] =	ssyncadd.s32 $0xFFFFD800  }
0x76: {  	[spmem:s3] =	stream.indirect.scatter.add.f32 [tilespmem:s21], [sflag:$0x5], $0x80, s7, s19, $0xb8;
	[tilespmem:$0x1D080] =	vst v63  }
0x77: {  	_ =	swait.ge [sflag:s25], $0x2800  }
0x78: {  	[sflag:s25] =	ssyncset.done $0x0  }
0x79: {  	s15 =	rddreg [dreg:$0xf];
	[sflag:s25] =	ssyncadd.s32 $0xFFFFD800  }
0x7a: {  	[tilespmem:s20], [sflag:$0x1] =	stream.indirect.gather [hbm4b:s0+s19], $0x80, s15, s19, $0xb8;
	[tilespmem:$0x1D080] =	vst v63  }
0x7b: {  	_ =	swait.ge [sflag:s26], $0x2800  }
0x7c: {  	[sflag:s26] =	ssyncset.done $0x0  }
0x7d: {  	s6 =	rddreg [dreg:$0x10];
	[sflag:s26] =	ssyncadd.s32 $0xFFFFD800  }
0x7e: {  	[spmem:s3] =	stream.indirect.scatter.add.f32 [tilespmem:s23], [sflag:$0x6], $0x80, s6, s19, $0xb8;
	[tilespmem:$0x1D080] =	vst v63  }
0x7f: {  	_ =	swait.ge [sflag:s28], $0x2800  }
0x80: {  	[sflag:s28] =	ssyncset.done $0x0  }
0x81: {  	s7 =	rddreg [dreg:$0x11];
	[sflag:s28] =	ssyncadd.s32 $0xFFFFD800  }
0x82: {  	[tilespmem:s21], [sflag:$0x2] =	stream.indirect.gather [hbm4b:s0+s19], $0x80, s7, s19, $0xb8;
	[tilespmem:$0x1D080] =	vst v63  }
0x83: {  	_ =	swait.ge [sflag:s22], $0x2800  }
0x84: {  	[sflag:s22] =	ssyncset.done $0x0  }
0x85: {  	s15 =	rddreg [dreg:$0x12];
	[sflag:s22] =	ssyncadd.s32 $0xFFFFD800  }
0x86: {  	[spmem:s3] =	stream.indirect.scatter.add.f32 [tilespmem:s20], [sflag:$0x4], $0x80, s15, s19, $0xb8;
	[tilespmem:$0x1D080] =	vst v63  }
0x87: {  	_ =	swait.ge [sflag:s29], $0x2800  }
0x88: {  	[sflag:s29] =	ssyncset.done $0x0  }
0x89: {  	s6 =	rddreg [dreg:$0x13];
	[sflag:s29] =	ssyncadd.s32 $0xFFFFD800  }
0x8a: {  	[tilespmem:s23], [sflag:$0x3] =	stream.indirect.gather [hbm4b:s0+s19], $0x80, s6, s19, $0xb8;
	[tilespmem:$0x1D080] =	vst v63  }
0x8b: {  	_ =	swait.ge [sflag:s24], $0x2800  }
0x8c: {  	[sflag:s24] =	ssyncset.done $0x0  }
0x8d: {  	s7 =	rddreg [dreg:$0x14];
	[sflag:s24] =	ssyncadd.s32 $0xFFFFD800  }
0x8e: {  	[spmem:s3] =	stream.indirect.scatter.add.f32 [tilespmem:s21], [sflag:$0x5], $0x80, s7, s19, $0xb8;
	[tilespmem:$0x1D080] =	vst v63  }
0x8f: {  	_ =	swait.ge [sflag:s25], $0x2800  }
0x90: {  	[sflag:s25] =	ssyncset.done $0x0  }
0x91: {  	s15 =	rddreg [dreg:$0x15];
	[sflag:s25] =	ssyncadd.s32 $0xFFFFD800  }
0x92: {  	[tilespmem:s20], [sflag:$0x1] =	stream.indirect.gather [hbm4b:s0+s19], $0x80, s15, s19, $0xb8;
	[tilespmem:$0x1D080] =	vst v63  }
0x93: {  	_ =	swait.ge [sflag:s26], $0x2800  }
0x94: {  	[sflag:s26] =	ssyncset.done $0x0  }
0x95: {  	s6 =	rddreg [dreg:$0x16];
	[sflag:s26] =	ssyncadd.s32 $0xFFFFD800  }
0x96: {  	[spmem:s3] =	stream.indirect.scatter.add.f32 [tilespmem:s23], [sflag:$0x6], $0x80, s6, s19, $0xb8;
	[tilespmem:$0x1D080] =	vst v63  }
0x97: {  	_ =	swait.ge [sflag:s28], $0x2800  }
0x98: {  	[sflag:s28] =	ssyncset.done $0x0  }
0x99: {  	s7 =	rddreg [dreg:$0x17];
	[sflag:s28] =	ssyncadd.s32 $0xFFFFD800  }
0x9a: {  	[tilespmem:s21], [sflag:$0x2] =	stream.indirect.gather [hbm4b:s0+s19], $0x80, s7, s19, $0xb8;
	[tilespmem:$0x1D080] =	vst v63  }
0x9b: {  	_ =	swait.ge [sflag:s22], $0x2800  }
0x9c: {  	[sflag:s22] =	ssyncset.done $0x0  }
0x9d: {  	s15 =	rddreg [dreg:$0x18];
	[sflag:s22] =	ssyncadd.s32 $0xFFFFD800  }
0x9e: {  	[spmem:s3] =	stream.indirect.scatter.add.f32 [tilespmem:s20], [sflag:$0x4], $0x80, s15, s19, $0xb8;
	[tilespmem:$0x1D080] =	vst v63  }
0x9f: {  	_ =	swait.ge [sflag:s29], $0x2800  }
0xa0: {  	[sflag:s29] =	ssyncset.done $0x0  }
0xa1: {  	s6 =	rddreg [dreg:$0x19];
	[sflag:s29] =	ssyncadd.s32 $0xFFFFD800  }
0xa2: {  	[tilespmem:s23], [sflag:$0x3] =	stream.indirect.gather [hbm4b:s0+s19], $0x80, s6, s19, $0xb8;
	[tilespmem:$0x1D080] =	vst v63  }
0xa3: {  	_ =	swait.ge [sflag:s24], $0x2800  }
0xa4: {  	[sflag:s24] =	ssyncset.done $0x0  }
0xa5: {  	s7 =	rddreg [dreg:$0x1a];
	[sflag:s24] =	ssyncadd.s32 $0xFFFFD800  }
0xa6: {  	[spmem:s3] =	stream.indirect.scatter.add.f32 [tilespmem:s21], [sflag:$0x5], $0x80, s7, s19, $0xb8;
	[tilespmem:$0x1D080] =	vst v63  }
0xa7: {  	_ =	swait.ge [sflag:s25], $0x2800  }
0xa8: {  	[sflag:s25] =	ssyncset.done $0x0  }
0xa9: {  	s15 =	rddreg [dreg:$0x1b];
	[sflag:s25] =	ssyncadd.s32 $0xFFFFD800  }
0xaa: {  	[tilespmem:s20], [sflag:$0x1] =	stream.indirect.gather [hbm4b:s0+s19], $0x80, s15, s19, $0xb8;
	[tilespmem:$0x1D080] =	vst v63  }
0xab: {  	_ =	swait.ge [sflag:s26], $0x2800  }
0xac: {  	[sflag:s26] =	ssyncset.done $0x0  }
0xad: {  	s6 =	rddreg [dreg:$0x1c];
	[sflag:s26] =	ssyncadd.s32 $0xFFFFD800  }
0xae: {  	[spmem:s3] =	stream.indirect.scatter.add.f32 [tilespmem:s23], [sflag:$0x6], $0x80, s6, s19, $0xb8;
	[tilespmem:$0x1D080] =	vst v63  }
0xaf: {  	_ =	swait.ge [sflag:s28], $0x2800  }
0xb0: {  	[sflag:s28] =	ssyncset.done $0x0  }
0xb1: {  	s7 =	rddreg [dreg:$0x1d];
	[sflag:s28] =	ssyncadd.s32 $0xFFFFD800  }
0xb2: {  	[tilespmem:s21], [sflag:$0x2] =	stream.indirect.gather [hbm4b:s0+s19], $0x80, s7, s19, $0xb8;
	[tilespmem:$0x1D080] =	vst v63  }
0xb3: {  	_ =	swait.ge [sflag:s22], $0x2800  }
0xb4: {  	[sflag:s22] =	ssyncset.done $0x0  }
0xb5: {  	s15 =	rddreg [dreg:$0x1e];
	[sflag:s22] =	ssyncadd.s32 $0xFFFFD800  }
0xb6: {  	[spmem:s3] =	stream.indirect.scatter.add.f32 [tilespmem:s20], [sflag:$0x4], $0x80, s15, s19, $0xb8;
	[tilespmem:$0x1D080] =	vst v63  }
0xb7: {  	_ =	swait.ge [sflag:s29], $0x2800  }
0xb8: {  	[sflag:s29] =	ssyncset.done $0x0  }
0xb9: {  	s6 =	rddreg [dreg:$0x1f];
	[sflag:s29] =	ssyncadd.s32 $0xFFFFD800  }
0xba: {  	[tilespmem:s23], [sflag:$0x3] =	stream.indirect.gather [hbm4b:s0+s19], $0x80, s6, s19, $0xb8;
	[tilespmem:$0x1D080] =	vst v63  }
0xbb: {  	_ =	swait.ge [sflag:s24], $0x2800  }
0xbc: {  	s7 =	sld [smem:$0x7F3]  }
0xbd: {  	[sflag:s24] =	ssyncset.done $0x0  }
0xbe: {  	[sflag:s24] =	ssyncadd.s32 $0xFFFFD800  }
0xbf: {  	[spmem:s3] =	stream.indirect.scatter.add.f32 [tilespmem:s21], [sflag:$0x5], $0x80, s7, s19, $0xb8;
	[tilespmem:$0x1D080] =	vst v63  }
0xc0: {  	_ =	swait.ge [sflag:s25], $0x2800  }
0xc1: {  	s15 =	sld [smem:$0x7F4]  }
0xc2: {  	[sflag:s25] =	ssyncset.done $0x0  }
0xc3: {  	[sflag:s25] =	ssyncadd.s32 $0xFFFFD800  }
0xc4: {  	[tilespmem:s20], [sflag:$0x1] =	stream.indirect.gather [hbm4b:s0+s19], $0x80, s15, s19, $0xb8;
	[tilespmem:$0x1D080] =	vst v63  }
0xc5: {  	_ =	swait.ge [sflag:s26], $0x2800  }
0xc6: {  	s6 =	sld [smem:$0x7F5]  }
0xc7: {  	[sflag:s26] =	ssyncset.done $0x0  }
0xc8: {  	[sflag:s26] =	ssyncadd.s32 $0xFFFFD800  }
0xc9: {  	[spmem:s3] =	stream.indirect.scatter.add.f32 [tilespmem:s23], [sflag:$0x6], $0x80, s6, s19, $0xb8;
	[tilespmem:$0x1D080] =	vst v63  }
0xca: {  	_ =	swait.ge [sflag:s28], $0x2800  }
0xcb: {  	s7 =	sld [smem:$0x7F6]  }
0xcc: {  	[sflag:s28] =	ssyncset.done $0x0  }
0xcd: {  	[sflag:s28] =	ssyncadd.s32 $0xFFFFD800  }
0xce: {  	[tilespmem:s21], [sflag:$0x2] =	stream.indirect.gather [hbm4b:s0+s19], $0x80, s7, s19, $0xb8;
	[tilespmem:$0x1D080] =	vst v63  }
0xcf: {  	_ =	swait.ge [sflag:s22], $0x2800  }
0xd0: {  	s15 =	sld [smem:$0x7F7]  }
0xd1: {  	[sflag:s22] =	ssyncset.done $0x0  }
0xd2: {  	[sflag:s22] =	ssyncadd.s32 $0xFFFFD800  }
0xd3: {  	[spmem:s3] =	stream.indirect.scatter.add.f32 [tilespmem:s20], [sflag:$0x4], $0x80, s15, s19, $0xb8;
	[tilespmem:$0x1D080] =	vst v63  }
0xd4: {  	_ =	swait.ge [sflag:s29], $0x2800  }
0xd5: {  	s6 =	sld [smem:$0x7F8]  }
0xd6: {  	[sflag:s29] =	ssyncset.done $0x0  }
0xd7: {  	[sflag:s29] =	ssyncadd.s32 $0xFFFFD800  }
0xd8: {  	[tilespmem:s23], [sflag:$0x3] =	stream.indirect.gather [hbm4b:s0+s19], $0x80, s6, s19, $0xb8;
	[tilespmem:$0x1D080] =	vst v63  }
0xd9: {  	_ =	swait.ge [sflag:s24], $0x2800  }
0xda: {  	s7 =	sld [smem:$0x7F9]  }
0xdb: {  	[sflag:s24] =	ssyncset.done $0x0  }
0xdc: {  	[sflag:s24] =	ssyncadd.s32 $0xFFFFD800  }
0xdd: {  	[spmem:s3] =	stream.indirect.scatter.add.f32 [tilespmem:s21], [sflag:$0x5], $0x80, s7, s19, $0xb8;
	[tilespmem:$0x1D080] =	vst v63  }
0xde: {  	_ =	swait.ge [sflag:s25], $0x2800  }
0xdf: {  	s15 =	sld [smem:$0x7FA]  }
0xe0: {  	[sflag:s25] =	ssyncset.done $0x0  }
0xe1: {  	[sflag:s25] =	ssyncadd.s32 $0xFFFFD800  }
0xe2: {  	[tilespmem:s20], [sflag:$0x1] =	stream.indirect.gather [hbm4b:s0+s19], $0x80, s15, s19, $0xb8;
	[tilespmem:$0x1D080] =	vst v63  }
0xe3: {  	_ =	swait.ge [sflag:s26], $0x2800  }
0xe4: {  	s6 =	sld [smem:$0x7FB]  }
0xe5: {  	[sflag:s26] =	ssyncset.done $0x0  }
0xe6: {  	[sflag:s26] =	ssyncadd.s32 $0xFFFFD800  }
0xe7: {  	[spmem:s3] =	stream.indirect.scatter.add.f32 [tilespmem:s23], [sflag:$0x6], $0x80, s6, s19, $0xb8;
	[tilespmem:$0x1D080] =	vst v63  }
0xe8: {  	_ =	swait.ge [sflag:s28], $0x2800  }
0xe9: {  	s7 =	sld [smem:$0x7FC]  }
0xea: {  	[sflag:s28] =	ssyncset.done $0x0  }
0xeb: {  	[sflag:s28] =	ssyncadd.s32 $0xFFFFD800  }
0xec: {  	[tilespmem:s21], [sflag:$0x2] =	stream.indirect.gather [hbm4b:s0+s19], $0x80, s7, s19, $0xb8;
	[tilespmem:$0x1D080] =	vst v63  }
0xed: {  	_ =	swait.ge [sflag:s22], $0x2800  }
0xee: {  	s15 =	sld [smem:$0x7FD]  }
0xef: {  	[sflag:s22] =	ssyncset.done $0x0  }
0xf0: {  	[sflag:s22] =	ssyncadd.s32 $0xFFFFD800  }
0xf1: {  	[spmem:s3] =	stream.indirect.scatter.add.f32 [tilespmem:s20], [sflag:$0x4], $0x80, s15, s19, $0xb8;
	[tilespmem:$0x1D080] =	vst v63  }
0xf2: {  	_ =	swait.ge [sflag:s29], $0x2800  }
0xf3: {  	[sflag:s29] =	ssyncset.done $0x0  }
0xf4: {  	[sflag:s29] =	ssyncadd.s32 $0xFFFFD800  }
0xf5: {  	[tilespmem:s23], [sflag:$0x3] =	stream.indirect.gather [hbm4b:s0+s19], $0x80, s30, s19, $0xb8;
	[tilespmem:$0x1D080] =	vst v63  }
0xf6: {  	_ =	swait.ge [sflag:s24], $0x2800  }
0xf7: {  	[sflag:s24] =	ssyncset.done $0x0  }
0xf8: {  	[sflag:s24] =	ssyncadd.s32 $0xFFFFD800  }
0xf9: {  	[spmem:s3] =	stream.indirect.scatter.add.f32 [tilespmem:s21], [sflag:$0x5], $0x80, s31, s19, $0xb8;
	[tilespmem:$0x1D080] =	vst v63  }
0xfa: {  	_ =	swait.ge [sflag:s25], $0x2800  }
0xfb: {  	[sflag:s25] =	ssyncset.done $0x0  }
0xfc: {  	[sflag:s25] =	ssyncadd.s32 $0xFFFFD800  }
0xfd: {  	[tilespmem:s20], [sflag:$0x1] =	stream.indirect.gather [hbm4b:s0+s19], $0x80, s2, s19, $0xb8;
	[tilespmem:$0x1D080] =	vst v63  }
0xfe: {  	_ =	swait.ge [sflag:s26], $0x2800  }
0xff: {  	[sflag:s26] =	ssyncset.done $0x0  }
0x100: {  	[sflag:s26] =	ssyncadd.s32 $0xFFFFD800  }
0x101: {  	[spmem:s3] =	stream.indirect.scatter.add.f32 [tilespmem:s23], [sflag:$0x6], $0x80, s8, s19, $0xb8;
	[tilespmem:$0x1D080] =	vst v63  }
0x102: {  	_ =	swait.ge [sflag:s28], $0x2800  }
0x103: {  	[sflag:s28] =	ssyncset.done $0x0  }
0x104: {  	[sflag:s28] =	ssyncadd.s32 $0xFFFFD800  }
0x105: {  	[tilespmem:s21], [sflag:$0x2] =	stream.indirect.gather [hbm4b:s0+s19], $0x80, s9, s19, $0xb8;
	[tilespmem:$0x1D080] =	vst v63  }
0x106: {  	_ =	swait.ge [sflag:s22], $0x2800  }
0x107: {  	[sflag:s22] =	ssyncset.done $0x0  }
0x108: {  	[sflag:s22] =	ssyncadd.s32 $0xFFFFD800  }
0x109: {  	[spmem:s3] =	stream.indirect.scatter.add.f32 [tilespmem:s20], [sflag:$0x4], $0x80, s10, s19, $0xb8;
	[tilespmem:$0x1D080] =	vst v63  }
0x10a: {  	_ =	swait.ge [sflag:s29], $0x2800  }
0x10b: {  	[sflag:s29] =	ssyncset.done $0x0  }
0x10c: {  	[sflag:s29] =	ssyncadd.s32 $0xFFFFD800  }
0x10d: {  	[tilespmem:s23], [sflag:$0x3] =	stream.indirect.gather [hbm4b:s0+s19], $0x80, s11, s19, $0xb8;
	[tilespmem:$0x1D080] =	vst v63  }
0x10e: {  	_ =	swait.ge [sflag:s24], $0x2800  }
0x10f: {  	[sflag:s24] =	ssyncset.done $0x0  }
0x110: {  	[sflag:s24] =	ssyncadd.s32 $0xFFFFD800  }
0x111: {  	[spmem:s3] =	stream.indirect.scatter.add.f32 [tilespmem:s21], [sflag:$0x5], $0x80, s12, s19, $0xb8;
	[tilespmem:$0x1D080] =	vst v63  }
0x112: {  	_ =	swait.ge [sflag:s25], $0x2800  }
0x113: {  	[sflag:s25] =	ssyncset.done $0x0  }
0x114: {  	[sflag:s25] =	ssyncadd.s32 $0xFFFFD800  }
0x115: {  	[tilespmem:s20], [sflag:$0x1] =	stream.indirect.gather [hbm4b:s0+s19], $0x80, s13, s19, $0xb8;
	[tilespmem:$0x1D080] =	vst v63  }
0x116: {  	_ =	swait.ge [sflag:s26], $0x2800  }
0x117: {  	[sflag:s26] =	ssyncset.done $0x0  }
0x118: {  	[sflag:s26] =	ssyncadd.s32 $0xFFFFD800  }
0x119: {  	[spmem:s3] =	stream.indirect.scatter.add.f32 [tilespmem:s23], [sflag:$0x6], $0x80, s1, s19, $0xb8;
	[tilespmem:$0x1D080] =	vst v63  }
0x11a: {  	_ =	swait.ge [sflag:s22], $0x2800  }
0x11b: {  	[sflag:s22] =	ssyncset.done $0x0  }
0x11c: {  	[sflag:s22] =	ssyncadd.s32 $0xFFFFD800  }
0x11d: {  	[spmem:s3] =	stream.indirect.scatter.add.f32 [tilespmem:s20], [sflag:$0x4], $0x80, s14, s19, $0xb8;
	[tilespmem:$0x1D080] =	vst v63  }
0x11e: {  	_ =	swait.ge [sflag:s28], $0x2800  }
0x11f: {  	[sflag:s28] =	ssyncset.done $0x0  }
0x120: {  	[sflag:s28] =	ssyncadd.s32 $0xFFFFD800  }
0x121: {  	_ =	swait.ge [sflag:s29], $0x2800  }
0x122: {  	[sflag:s29] =	ssyncset.done $0x0  }
0x123: {  	[sflag:s29] =	ssyncadd.s32 $0xFFFFD800  }
0x124: {  	s5 =	simm.s32 $0x200;
	_ =	swait.ge [sflag:s25], $0x2800  }
0x125: {  	s6 =	simm.s32 $0x400;
	s7 =	rddreg [dreg:$0x5];
	[sflag:s25] =	ssyncset.done $0x0  }
.LBB2_2:
0x126: {  	[sflag:s25] =	ssyncadd.s32 $0xFFFFD800;
	s7 =	sadd.s32 s5, s7  }
0x127: {  	[tilespmem:s16], [sflag:$0x7] =	stream.linear.gather [hbm4b:s7+s4], $0xC80, $0x38;
	[tilespmem:$0x1D080] =	vst v63  }
0x128: {  	_ =	swait.ge [sflag:s17], $0xC80  }
0x129: {  	s7 =	rddreg [dreg:$0x4];
	[sflag:s17] =	ssyncset.done $0x0  }
0x12a: {  	[sflag:s17] =	ssyncadd.s32 $0xFFFFF380;
	s7 =	sadd.s32 s5, s7  }
0x12b: {  	[tilespmem:s18], [sflag:$0x7] =	stream.linear.gather [hbm4b:s7+s4], $0xC80, $0x38;
	[tilespmem:$0x1D080] =	vst v63  }
0x12c: {  	_ =	swait.ge [sflag:s17], $0xC80  }
0x12d: {  	[sflag:s17] =	ssyncset.done $0x0  }
0x12e: {  	s15 =	smov.u32 s6;
	[sflag:s17] =	ssyncadd.s32 $0xFFFFF380  }
0x12f: {  	[tilespmem:s20], [sflag:$0x1] =	stream.indirect.gather [hbm4b:s0+s19], $0x80, s16, s19, $0xb8;
	[tilespmem:$0x1D080] =	vst v63  }
0x130: {  	s5 =	smov.u32 s15;
	s15 =	rddreg [dreg:$0x6]  }
0x131: {  	[tilespmem:s21], [sflag:$0x2] =	stream.indirect.gather [hbm4b:s0+s19], $0x80, s15, s19, $0xb8;
	[tilespmem:$0x1D080] =	vst v63  }
0x132: {  	_ =	swait.ge [sflag:s22], $0x2800  }
0x133: {  	[sflag:s22] =	ssyncset.done $0x0  }
0x134: {  	[sflag:s22] =	ssyncadd.s32 $0xFFFFD800  }
0x135: {  	[spmem:s3] =	stream.indirect.scatter.add.f32 [tilespmem:s20], [sflag:$0x4], $0x80, s18, s19, $0xb8;
	[tilespmem:$0x1D080] =	vst v63  }
0x136: {  	s15 =	rddreg [dreg:$0x7]  }
0x137: {  	[tilespmem:s23], [sflag:$0x3] =	stream.indirect.gather [hbm4b:s0+s19], $0x80, s15, s19, $0xb8;
	[tilespmem:$0x1D080] =	vst v63  }
0x138: {  	_ =	swait.ge [sflag:s24], $0x2800  }
0x139: {  	[sflag:s24] =	ssyncset.done $0x0  }
0x13a: {  	s15 =	rddreg [dreg:$0x8];
	[sflag:s24] =	ssyncadd.s32 $0xFFFFD800  }
0x13b: {  	[spmem:s3] =	stream.indirect.scatter.add.f32 [tilespmem:s21], [sflag:$0x5], $0x80, s15, s19, $0xb8;
	[tilespmem:$0x1D080] =	vst v63  }
0x13c: {  	_ =	swait.ge [sflag:s25], $0x2800  }
0x13d: {  	[sflag:s25] =	ssyncset.done $0x0  }
0x13e: {  	s15 =	rddreg [dreg:$0x9];
	[sflag:s25] =	ssyncadd.s32 $0xFFFFD800  }
0x13f: {  	[tilespmem:s20], [sflag:$0x1] =	stream.indirect.gather [hbm4b:s0+s19], $0x80, s15, s19, $0xb8;
	[tilespmem:$0x1D080] =	vst v63  }
0x140: {  	_ =	swait.ge [sflag:s26], $0x2800  }
0x141: {  	[sflag:s26] =	ssyncset.done $0x0  }
0x142: {  	s15 =	rddreg [dreg:$0xa];
	[sflag:s26] =	ssyncadd.s32 $0xFFFFD800  }
0x143: {  	[spmem:s3] =	stream.indirect.scatter.add.f32 [tilespmem:s23], [sflag:$0x6], $0x80, s15, s19, $0xb8;
	[tilespmem:$0x1D080] =	vst v63  }
0x144: {  	_ =	swait.ge [sflag:s28], $0x2800  }
0x145: {  	[sflag:s28] =	ssyncset.done $0x0  }
0x146: {  	s15 =	rddreg [dreg:$0xb];
	[sflag:s28] =	ssyncadd.s32 $0xFFFFD800  }
0x147: {  	[tilespmem:s21], [sflag:$0x2] =	stream.indirect.gather [hbm4b:s0+s19], $0x80, s15, s19, $0xb8;
	[tilespmem:$0x1D080] =	vst v63  }
0x148: {  	_ =	swait.ge [sflag:s22], $0x2800  }
0x149: {  	[sflag:s22] =	ssyncset.done $0x0  }
0x14a: {  	s15 =	rddreg [dreg:$0xc];
	[sflag:s22] =	ssyncadd.s32 $0xFFFFD800  }
0x14b: {  	[spmem:s3] =	stream.indirect.scatter.add.f32 [tilespmem:s20], [sflag:$0x4], $0x80, s15, s19, $0xb8;
	[tilespmem:$0x1D080] =	vst v63  }
0x14c: {  	_ =	swait.ge [sflag:s29], $0x2800  }
0x14d: {  	[sflag:s29] =	ssyncset.done $0x0  }
0x14e: {  	s15 =	rddreg [dreg:$0xd];
	[sflag:s29] =	ssyncadd.s32 $0xFFFFD800  }
0x14f: {  	[tilespmem:s23], [sflag:$0x3] =	stream.indirect.gather [hbm4b:s0+s19], $0x80, s15, s19, $0xb8;
	[tilespmem:$0x1D080] =	vst v63  }
0x150: {  	_ =	swait.ge [sflag:s24], $0x2800  }
0x151: {  	[sflag:s24] =	ssyncset.done $0x0  }
0x152: {  	s15 =	rddreg [dreg:$0xe];
	[sflag:s24] =	ssyncadd.s32 $0xFFFFD800  }
0x153: {  	[spmem:s3] =	stream.indirect.scatter.add.f32 [tilespmem:s21], [sflag:$0x5], $0x80, s15, s19, $0xb8;
	[tilespmem:$0x1D080] =	vst v63  }
0x154: {  	_ =	swait.ge [sflag:s25], $0x2800  }
0x155: {  	[sflag:s25] =	ssyncset.done $0x0  }
0x156: {  	s15 =	rddreg [dreg:$0xf];
	[sflag:s25] =	ssyncadd.s32 $0xFFFFD800  }
0x157: {  	[tilespmem:s20], [sflag:$0x1] =	stream.indirect.gather [hbm4b:s0+s19], $0x80, s15, s19, $0xb8;
	[tilespmem:$0x1D080] =	vst v63  }
0x158: {  	_ =	swait.ge [sflag:s26], $0x2800  }
0x159: {  	[sflag:s26] =	ssyncset.done $0x0  }
0x15a: {  	s15 =	rddreg [dreg:$0x10];
	[sflag:s26] =	ssyncadd.s32 $0xFFFFD800  }
0x15b: {  	[spmem:s3] =	stream.indirect.scatter.add.f32 [tilespmem:s23], [sflag:$0x6], $0x80, s15, s19, $0xb8;
	[tilespmem:$0x1D080] =	vst v63  }
0x15c: {  	_ =	swait.ge [sflag:s28], $0x2800  }
0x15d: {  	[sflag:s28] =	ssyncset.done $0x0  }
0x15e: {  	s15 =	rddreg [dreg:$0x11];
	[sflag:s28] =	ssyncadd.s32 $0xFFFFD800  }
0x15f: {  	[tilespmem:s21], [sflag:$0x2] =	stream.indirect.gather [hbm4b:s0+s19], $0x80, s15, s19, $0xb8;
	[tilespmem:$0x1D080] =	vst v63  }
0x160: {  	_ =	swait.ge [sflag:s22], $0x2800  }
0x161: {  	[sflag:s22] =	ssyncset.done $0x0  }
0x162: {  	s15 =	rddreg [dreg:$0x12];
	[sflag:s22] =	ssyncadd.s32 $0xFFFFD800  }
0x163: {  	[spmem:s3] =	stream.indirect.scatter.add.f32 [tilespmem:s20], [sflag:$0x4], $0x80, s15, s19, $0xb8;
	[tilespmem:$0x1D080] =	vst v63  }
0x164: {  	_ =	swait.ge [sflag:s29], $0x2800  }
0x165: {  	[sflag:s29] =	ssyncset.done $0x0  }
0x166: {  	s15 =	rddreg [dreg:$0x13];
	[sflag:s29] =	ssyncadd.s32 $0xFFFFD800  }
0x167: {  	[tilespmem:s23], [sflag:$0x3] =	stream.indirect.gather [hbm4b:s0+s19], $0x80, s15, s19, $0xb8;
	[tilespmem:$0x1D080] =	vst v63  }
0x168: {  	_ =	swait.ge [sflag:s24], $0x2800  }
0x169: {  	[sflag:s24] =	ssyncset.done $0x0  }
0x16a: {  	s15 =	rddreg [dreg:$0x14];
	[sflag:s24] =	ssyncadd.s32 $0xFFFFD800  }
0x16b: {  	[spmem:s3] =	stream.indirect.scatter.add.f32 [tilespmem:s21], [sflag:$0x5], $0x80, s15, s19, $0xb8;
	[tilespmem:$0x1D080] =	vst v63  }
0x16c: {  	_ =	swait.ge [sflag:s25], $0x2800  }
0x16d: {  	[sflag:s25] =	ssyncset.done $0x0  }
0x16e: {  	s15 =	rddreg [dreg:$0x15];
	[sflag:s25] =	ssyncadd.s32 $0xFFFFD800  }
0x16f: {  	[tilespmem:s20], [sflag:$0x1] =	stream.indirect.gather [hbm4b:s0+s19], $0x80, s15, s19, $0xb8;
	[tilespmem:$0x1D080] =	vst v63  }
0x170: {  	_ =	swait.ge [sflag:s26], $0x2800  }
0x171: {  	[sflag:s26] =	ssyncset.done $0x0  }
0x172: {  	s15 =	rddreg [dreg:$0x16];
	[sflag:s26] =	ssyncadd.s32 $0xFFFFD800  }
0x173: {  	[spmem:s3] =	stream.indirect.scatter.add.f32 [tilespmem:s23], [sflag:$0x6], $0x80, s15, s19, $0xb8;
	[tilespmem:$0x1D080] =	vst v63  }
0x174: {  	_ =	swait.ge [sflag:s28], $0x2800  }
0x175: {  	[sflag:s28] =	ssyncset.done $0x0  }
0x176: {  	s15 =	rddreg [dreg:$0x17];
	[sflag:s28] =	ssyncadd.s32 $0xFFFFD800  }
0x177: {  	[tilespmem:s21], [sflag:$0x2] =	stream.indirect.gather [hbm4b:s0+s19], $0x80, s15, s19, $0xb8;
	[tilespmem:$0x1D080] =	vst v63  }
0x178: {  	_ =	swait.ge [sflag:s22], $0x2800  }
0x179: {  	[sflag:s22] =	ssyncset.done $0x0  }
0x17a: {  	s15 =	rddreg [dreg:$0x18];
	[sflag:s22] =	ssyncadd.s32 $0xFFFFD800  }
0x17b: {  	[spmem:s3] =	stream.indirect.scatter.add.f32 [tilespmem:s20], [sflag:$0x4], $0x80, s15, s19, $0xb8;
	[tilespmem:$0x1D080] =	vst v63  }
0x17c: {  	_ =	swait.ge [sflag:s29], $0x2800  }
0x17d: {  	[sflag:s29] =	ssyncset.done $0x0  }
0x17e: {  	s15 =	rddreg [dreg:$0x19];
	[sflag:s29] =	ssyncadd.s32 $0xFFFFD800  }
0x17f: {  	[tilespmem:s23], [sflag:$0x3] =	stream.indirect.gather [hbm4b:s0+s19], $0x80, s15, s19, $0xb8;
	[tilespmem:$0x1D080] =	vst v63  }
0x180: {  	_ =	swait.ge [sflag:s24], $0x2800  }
0x181: {  	[sflag:s24] =	ssyncset.done $0x0  }
0x182: {  	s15 =	rddreg [dreg:$0x1a];
	[sflag:s24] =	ssyncadd.s32 $0xFFFFD800  }
0x183: {  	[spmem:s3] =	stream.indirect.scatter.add.f32 [tilespmem:s21], [sflag:$0x5], $0x80, s15, s19, $0xb8;
	[tilespmem:$0x1D080] =	vst v63  }
0x184: {  	_ =	swait.ge [sflag:s25], $0x2800  }
0x185: {  	[sflag:s25] =	ssyncset.done $0x0  }
0x186: {  	s15 =	rddreg [dreg:$0x1b];
	[sflag:s25] =	ssyncadd.s32 $0xFFFFD800  }
0x187: {  	[tilespmem:s20], [sflag:$0x1] =	stream.indirect.gather [hbm4b:s0+s19], $0x80, s15, s19, $0xb8;
	[tilespmem:$0x1D080] =	vst v63  }
0x188: {  	_ =	swait.ge [sflag:s26], $0x2800  }
0x189: {  	[sflag:s26] =	ssyncset.done $0x0  }
0x18a: {  	s15 =	rddreg [dreg:$0x1c];
	[sflag:s26] =	ssyncadd.s32 $0xFFFFD800  }
0x18b: {  	[spmem:s3] =	stream.indirect.scatter.add.f32 [tilespmem:s23], [sflag:$0x6], $0x80, s15, s19, $0xb8;
	[tilespmem:$0x1D080] =	vst v63  }
0x18c: {  	_ =	swait.ge [sflag:s28], $0x2800  }
0x18d: {  	[sflag:s28] =	ssyncset.done $0x0  }
0x18e: {  	s15 =	rddreg [dreg:$0x1d];
	[sflag:s28] =	ssyncadd.s32 $0xFFFFD800  }
0x18f: {  	[tilespmem:s21], [sflag:$0x2] =	stream.indirect.gather [hbm4b:s0+s19], $0x80, s15, s19, $0xb8;
	[tilespmem:$0x1D080] =	vst v63  }
0x190: {  	_ =	swait.ge [sflag:s22], $0x2800  }
0x191: {  	[sflag:s22] =	ssyncset.done $0x0  }
0x192: {  	s15 =	rddreg [dreg:$0x1e];
	[sflag:s22] =	ssyncadd.s32 $0xFFFFD800  }
0x193: {  	[spmem:s3] =	stream.indirect.scatter.add.f32 [tilespmem:s20], [sflag:$0x4], $0x80, s15, s19, $0xb8;
	[tilespmem:$0x1D080] =	vst v63  }
0x194: {  	_ =	swait.ge [sflag:s29], $0x2800  }
0x195: {  	[sflag:s29] =	ssyncset.done $0x0  }
0x196: {  	s15 =	rddreg [dreg:$0x1f];
	[sflag:s29] =	ssyncadd.s32 $0xFFFFD800  }
0x197: {  	[tilespmem:s23], [sflag:$0x3] =	stream.indirect.gather [hbm4b:s0+s19], $0x80, s15, s19, $0xb8;
	[tilespmem:$0x1D080] =	vst v63  }
0x198: {  	_ =	swait.ge [sflag:s24], $0x2800  }
0x199: {  	s15 =	sld [smem:$0x7F3]  }
0x19a: {  	[sflag:s24] =	ssyncset.done $0x0  }
0x19b: {  	[sflag:s24] =	ssyncadd.s32 $0xFFFFD800  }
0x19c: {  	[spmem:s3] =	stream.indirect.scatter.add.f32 [tilespmem:s21], [sflag:$0x5], $0x80, s15, s19, $0xb8;
	[tilespmem:$0x1D080] =	vst v63  }
0x19d: {  	_ =	swait.ge [sflag:s25], $0x2800  }
0x19e: {  	s15 =	sld [smem:$0x7F4]  }
0x19f: {  	[sflag:s25] =	ssyncset.done $0x0  }
0x1a0: {  	[sflag:s25] =	ssyncadd.s32 $0xFFFFD800  }
0x1a1: {  	[tilespmem:s20], [sflag:$0x1] =	stream.indirect.gather [hbm4b:s0+s19], $0x80, s15, s19, $0xb8;
	[tilespmem:$0x1D080] =	vst v63  }
0x1a2: {  	_ =	swait.ge [sflag:s26], $0x2800  }
0x1a3: {  	s15 =	sld [smem:$0x7F5]  }
0x1a4: {  	[sflag:s26] =	ssyncset.done $0x0  }
0x1a5: {  	[sflag:s26] =	ssyncadd.s32 $0xFFFFD800  }
0x1a6: {  	[spmem:s3] =	stream.indirect.scatter.add.f32 [tilespmem:s23], [sflag:$0x6], $0x80, s15, s19, $0xb8;
	[tilespmem:$0x1D080] =	vst v63  }
0x1a7: {  	_ =	swait.ge [sflag:s28], $0x2800  }
0x1a8: {  	s15 =	sld [smem:$0x7F6]  }
0x1a9: {  	[sflag:s28] =	ssyncset.done $0x0  }
0x1aa: {  	[sflag:s28] =	ssyncadd.s32 $0xFFFFD800  }
0x1ab: {  	[tilespmem:s21], [sflag:$0x2] =	stream.indirect.gather [hbm4b:s0+s19], $0x80, s15, s19, $0xb8;
	[tilespmem:$0x1D080] =	vst v63  }
0x1ac: {  	_ =	swait.ge [sflag:s22], $0x2800  }
0x1ad: {  	s15 =	sld [smem:$0x7F7]  }
0x1ae: {  	[sflag:s22] =	ssyncset.done $0x0  }
0x1af: {  	[sflag:s22] =	ssyncadd.s32 $0xFFFFD800  }
0x1b0: {  	[spmem:s3] =	stream.indirect.scatter.add.f32 [tilespmem:s20], [sflag:$0x4], $0x80, s15, s19, $0xb8;
	[tilespmem:$0x1D080] =	vst v63  }
0x1b1: {  	_ =	swait.ge [sflag:s29], $0x2800  }
0x1b2: {  	s15 =	sld [smem:$0x7F8]  }
0x1b3: {  	[sflag:s29] =	ssyncset.done $0x0  }
0x1b4: {  	[sflag:s29] =	ssyncadd.s32 $0xFFFFD800  }
0x1b5: {  	[tilespmem:s23], [sflag:$0x3] =	stream.indirect.gather [hbm4b:s0+s19], $0x80, s15, s19, $0xb8;
	[tilespmem:$0x1D080] =	vst v63  }
0x1b6: {  	_ =	swait.ge [sflag:s24], $0x2800  }
0x1b7: {  	s15 =	sld [smem:$0x7F9]  }
0x1b8: {  	[sflag:s24] =	ssyncset.done $0x0  }
0x1b9: {  	[sflag:s24] =	ssyncadd.s32 $0xFFFFD800  }
0x1ba: {  	[spmem:s3] =	stream.indirect.scatter.add.f32 [tilespmem:s21], [sflag:$0x5], $0x80, s15, s19, $0xb8;
	[tilespmem:$0x1D080] =	vst v63  }
0x1bb: {  	_ =	swait.ge [sflag:s25], $0x2800  }
0x1bc: {  	s15 =	sld [smem:$0x7FA]  }
0x1bd: {  	[sflag:s25] =	ssyncset.done $0x0  }
0x1be: {  	[sflag:s25] =	ssyncadd.s32 $0xFFFFD800  }
0x1bf: {  	[tilespmem:s20], [sflag:$0x1] =	stream.indirect.gather [hbm4b:s0+s19], $0x80, s15, s19, $0xb8;
	[tilespmem:$0x1D080] =	vst v63  }
0x1c0: {  	_ =	swait.ge [sflag:s26], $0x2800  }
0x1c1: {  	s15 =	sld [smem:$0x7FB]  }
0x1c2: {  	[sflag:s26] =	ssyncset.done $0x0  }
0x1c3: {  	[sflag:s26] =	ssyncadd.s32 $0xFFFFD800  }
0x1c4: {  	[spmem:s3] =	stream.indirect.scatter.add.f32 [tilespmem:s23], [sflag:$0x6], $0x80, s15, s19, $0xb8;
	[tilespmem:$0x1D080] =	vst v63  }
0x1c5: {  	_ =	swait.ge [sflag:s28], $0x2800  }
0x1c6: {  	s15 =	sld [smem:$0x7FC]  }
0x1c7: {  	[sflag:s28] =	ssyncset.done $0x0  }
0x1c8: {  	[sflag:s28] =	ssyncadd.s32 $0xFFFFD800  }
0x1c9: {  	[tilespmem:s21], [sflag:$0x2] =	stream.indirect.gather [hbm4b:s0+s19], $0x80, s15, s19, $0xb8;
	[tilespmem:$0x1D080] =	vst v63  }
0x1ca: {  	_ =	swait.ge [sflag:s22], $0x2800  }
0x1cb: {  	s15 =	sld [smem:$0x7FD]  }
0x1cc: {  	[sflag:s22] =	ssyncset.done $0x0  }
0x1cd: {  	[sflag:s22] =	ssyncadd.s32 $0xFFFFD800  }
0x1ce: {  	[spmem:s3] =	stream.indirect.scatter.add.f32 [tilespmem:s20], [sflag:$0x4], $0x80, s15, s19, $0xb8;
	[tilespmem:$0x1D080] =	vst v63  }
0x1cf: {  	_ =	swait.ge [sflag:s29], $0x2800  }
0x1d0: {  	[sflag:s29] =	ssyncset.done $0x0  }
0x1d1: {  	[sflag:s29] =	ssyncadd.s32 $0xFFFFD800  }
0x1d2: {  	[tilespmem:s23], [sflag:$0x3] =	stream.indirect.gather [hbm4b:s0+s19], $0x80, s30, s19, $0xb8;
	[tilespmem:$0x1D080] =	vst v63  }
0x1d3: {  	_ =	swait.ge [sflag:s24], $0x2800  }
0x1d4: {  	[sflag:s24] =	ssyncset.done $0x0  }
0x1d5: {  	[sflag:s24] =	ssyncadd.s32 $0xFFFFD800  }
0x1d6: {  	[spmem:s3] =	stream.indirect.scatter.add.f32 [tilespmem:s21], [sflag:$0x5], $0x80, s31, s19, $0xb8;
	[tilespmem:$0x1D080] =	vst v63  }
0x1d7: {  	_ =	swait.ge [sflag:s25], $0x2800  }
0x1d8: {  	[sflag:s25] =	ssyncset.done $0x0  }
0x1d9: {  	[sflag:s25] =	ssyncadd.s32 $0xFFFFD800  }
0x1da: {  	[tilespmem:s20], [sflag:$0x1] =	stream.indirect.gather [hbm4b:s0+s19], $0x80, s2, s19, $0xb8;
	[tilespmem:$0x1D080] =	vst v63  }
0x1db: {  	_ =	swait.ge [sflag:s26], $0x2800  }
0x1dc: {  	[sflag:s26] =	ssyncset.done $0x0  }
0x1dd: {  	[sflag:s26] =	ssyncadd.s32 $0xFFFFD800  }
0x1de: {  	[spmem:s3] =	stream.indirect.scatter.add.f32 [tilespmem:s23], [sflag:$0x6], $0x80, s8, s19, $0xb8;
	[tilespmem:$0x1D080] =	vst v63  }
0x1df: {  	_ =	swait.ge [sflag:s28], $0x2800  }
0x1e0: {  	[sflag:s28] =	ssyncset.done $0x0  }
0x1e1: {  	[sflag:s28] =	ssyncadd.s32 $0xFFFFD800  }
0x1e2: {  	[tilespmem:s21], [sflag:$0x2] =	stream.indirect.gather [hbm4b:s0+s19], $0x80, s9, s19, $0xb8;
	[tilespmem:$0x1D080] =	vst v63  }
0x1e3: {  	_ =	swait.ge [sflag:s22], $0x2800  }
0x1e4: {  	[sflag:s22] =	ssyncset.done $0x0  }
0x1e5: {  	[sflag:s22] =	ssyncadd.s32 $0xFFFFD800  }
0x1e6: {  	[spmem:s3] =	stream.indirect.scatter.add.f32 [tilespmem:s20], [sflag:$0x4], $0x80, s10, s19, $0xb8;
	[tilespmem:$0x1D080] =	vst v63  }
0x1e7: {  	_ =	swait.ge [sflag:s29], $0x2800  }
0x1e8: {  	[sflag:s29] =	ssyncset.done $0x0  }
0x1e9: {  	[sflag:s29] =	ssyncadd.s32 $0xFFFFD800  }
0x1ea: {  	[tilespmem:s23], [sflag:$0x3] =	stream.indirect.gather [hbm4b:s0+s19], $0x80, s11, s19, $0xb8;
	[tilespmem:$0x1D080] =	vst v63  }
0x1eb: {  	_ =	swait.ge [sflag:s24], $0x2800  }
0x1ec: {  	[sflag:s24] =	ssyncset.done $0x0  }
0x1ed: {  	[sflag:s24] =	ssyncadd.s32 $0xFFFFD800  }
0x1ee: {  	[spmem:s3] =	stream.indirect.scatter.add.f32 [tilespmem:s21], [sflag:$0x5], $0x80, s12, s19, $0xb8;
	[tilespmem:$0x1D080] =	vst v63  }
0x1ef: {  	_ =	swait.ge [sflag:s25], $0x2800  }
0x1f0: {  	[sflag:s25] =	ssyncset.done $0x0  }
0x1f1: {  	[sflag:s25] =	ssyncadd.s32 $0xFFFFD800  }
0x1f2: {  	[tilespmem:s20], [sflag:$0x1] =	stream.indirect.gather [hbm4b:s0+s19], $0x80, s13, s19, $0xb8;
	[tilespmem:$0x1D080] =	vst v63  }
0x1f3: {  	_ =	swait.ge [sflag:s26], $0x2800  }
0x1f4: {  	[sflag:s26] =	ssyncset.done $0x0  }
0x1f5: {  	[sflag:s26] =	ssyncadd.s32 $0xFFFFD800  }
0x1f6: {  	[spmem:s3] =	stream.indirect.scatter.add.f32 [tilespmem:s23], [sflag:$0x6], $0x80, s1, s19, $0xb8;
	[tilespmem:$0x1D080] =	vst v63  }
0x1f7: {  	_ =	swait.ge [sflag:s22], $0x2800  }
0x1f8: {  	[sflag:s22] =	ssyncset.done $0x0  }
0x1f9: {  	[sflag:s22] =	ssyncadd.s32 $0xFFFFD800  }
0x1fa: {  	[spmem:s3] =	stream.indirect.scatter.add.f32 [tilespmem:s20], [sflag:$0x4], $0x80, s14, s19, $0xb8;
	[tilespmem:$0x1D080] =	vst v63  }
0x1fb: {  	_ =	swait.ge [sflag:s28], $0x2800  }
0x1fc: {  	[sflag:s28] =	ssyncset.done $0x0  }
0x1fd: {  	p5 =	sne.s32 s6, $0x800;
	[sflag:s28] =	ssyncadd.s32 $0xFFFFD800  }
.Ltmp0:
0x1fe: {  	_ =	swait.ge [sflag:s29], $0x2800;
	(pc) =	sbr.rel @p5 .LBB2_2-.Ltmp0, $4  }
0x1ff: {  	[sflag:s29] =	ssyncset.done $0x0  }
0x200: {  	[sflag:s29] =	ssyncadd.s32 $0xFFFFD800  }
0x201: {  	_ =	swait.ge [sflag:s25], $0x2800  }
0x202: {  	s6 =	sadd.s32 $0x200, s6;
	s7 =	rddreg [dreg:$0x5];
	[sflag:s25] =	ssyncset.done $0x0  }
0x203: {  	[sflag:s25] =	ssyncadd.s32 $0xFFFFD800;
	s6 =	sadd.s32 s5, s7  }
0x204: {  	[tilespmem:s16], [sflag:$0x7] =	stream.linear.gather [hbm4b:s6+s4], $0xC80, $0x38;
	[tilespmem:$0x1D080] =	vst v63  }
0x205: {  	_ =	swait.ge [sflag:s17], $0xC80  }
0x206: {  	s15 =	rddreg [dreg:$0x4];
	[sflag:s17] =	ssyncset.done $0x0  }
0x207: {  	[sflag:s17] =	ssyncadd.s32 $0xFFFFF380;
	s7 =	sadd.s32 s5, s15  }
0x208: {  	[tilespmem:s18], [sflag:$0x7] =	stream.linear.gather [hbm4b:s7+s4], $0xC80, $0x38;
	[tilespmem:$0x1D080] =	vst v63  }
0x209: {  	_ =	swait.ge [sflag:s17], $0xC80  }
0x20a: {  	[sflag:s17] =	ssyncset.done $0x0  }
0x20b: {  	[sflag:s17] =	ssyncadd.s32 $0xFFFFF380  }
0x20c: {  	[tilespmem:s20], [sflag:$0x1] =	stream.indirect.gather [hbm4b:s0+s19], $0x80, s16, s19, $0xb8;
	[tilespmem:$0x1D080] =	vst v63  }
0x20d: {  	s15 =	rddreg [dreg:$0x6]  }
0x20e: {  	[tilespmem:s21], [sflag:$0x2] =	stream.indirect.gather [hbm4b:s0+s19], $0x80, s15, s19, $0xb8;
	[tilespmem:$0x1D080] =	vst v63  }
0x20f: {  	_ =	swait.ge [sflag:s22], $0x2800  }
0x210: {  	[sflag:s22] =	ssyncset.done $0x0  }
0x211: {  	[sflag:s22] =	ssyncadd.s32 $0xFFFFD800  }
0x212: {  	[spmem:s3] =	stream.indirect.scatter.add.f32 [tilespmem:s20], [sflag:$0x4], $0x80, s18, s19, $0xb8;
	[tilespmem:$0x1D080] =	vst v63  }
0x213: {  	s6 =	rddreg [dreg:$0x7]  }
0x214: {  	[tilespmem:s23], [sflag:$0x3] =	stream.indirect.gather [hbm4b:s0+s19], $0x80, s6, s19, $0xb8;
	[tilespmem:$0x1D080] =	vst v63  }
0x215: {  	_ =	swait.ge [sflag:s24], $0x2800  }
0x216: {  	[sflag:s24] =	ssyncset.done $0x0  }
0x217: {  	s7 =	rddreg [dreg:$0x8];
	[sflag:s24] =	ssyncadd.s32 $0xFFFFD800  }
0x218: {  	[spmem:s3] =	stream.indirect.scatter.add.f32 [tilespmem:s21], [sflag:$0x5], $0x80, s7, s19, $0xb8;
	[tilespmem:$0x1D080] =	vst v63  }
0x219: {  	_ =	swait.ge [sflag:s25], $0x2800  }
0x21a: {  	[sflag:s25] =	ssyncset.done $0x0  }
0x21b: {  	s15 =	rddreg [dreg:$0x9];
	[sflag:s25] =	ssyncadd.s32 $0xFFFFD800  }
0x21c: {  	[tilespmem:s20], [sflag:$0x1] =	stream.indirect.gather [hbm4b:s0+s19], $0x80, s15, s19, $0xb8;
	[tilespmem:$0x1D080] =	vst v63  }
0x21d: {  	_ =	swait.ge [sflag:s26], $0x2800  }
0x21e: {  	[sflag:s26] =	ssyncset.done $0x0  }
0x21f: {  	s6 =	rddreg [dreg:$0xa];
	[sflag:s26] =	ssyncadd.s32 $0xFFFFD800  }
0x220: {  	[spmem:s3] =	stream.indirect.scatter.add.f32 [tilespmem:s23], [sflag:$0x6], $0x80, s6, s19, $0xb8;
	[tilespmem:$0x1D080] =	vst v63  }
0x221: {  	_ =	swait.ge [sflag:s28], $0x2800  }
0x222: {  	[sflag:s28] =	ssyncset.done $0x0  }
0x223: {  	s7 =	rddreg [dreg:$0xb];
	[sflag:s28] =	ssyncadd.s32 $0xFFFFD800  }
0x224: {  	[tilespmem:s21], [sflag:$0x2] =	stream.indirect.gather [hbm4b:s0+s19], $0x80, s7, s19, $0xb8;
	[tilespmem:$0x1D080] =	vst v63  }
0x225: {  	_ =	swait.ge [sflag:s22], $0x2800  }
0x226: {  	[sflag:s22] =	ssyncset.done $0x0  }
0x227: {  	s15 =	rddreg [dreg:$0xc];
	[sflag:s22] =	ssyncadd.s32 $0xFFFFD800  }
0x228: {  	[spmem:s3] =	stream.indirect.scatter.add.f32 [tilespmem:s20], [sflag:$0x4], $0x80, s15, s19, $0xb8;
	[tilespmem:$0x1D080] =	vst v63  }
0x229: {  	_ =	swait.ge [sflag:s29], $0x2800  }
0x22a: {  	[sflag:s29] =	ssyncset.done $0x0  }
0x22b: {  	s6 =	rddreg [dreg:$0xd];
	[sflag:s29] =	ssyncadd.s32 $0xFFFFD800  }
0x22c: {  	[tilespmem:s23], [sflag:$0x3] =	stream.indirect.gather [hbm4b:s0+s19], $0x80, s6, s19, $0xb8;
	[tilespmem:$0x1D080] =	vst v63  }
0x22d: {  	_ =	swait.ge [sflag:s24], $0x2800  }
0x22e: {  	[sflag:s24] =	ssyncset.done $0x0  }
0x22f: {  	s7 =	rddreg [dreg:$0xe];
	[sflag:s24] =	ssyncadd.s32 $0xFFFFD800  }
0x230: {  	[spmem:s3] =	stream.indirect.scatter.add.f32 [tilespmem:s21], [sflag:$0x5], $0x80, s7, s19, $0xb8;
	[tilespmem:$0x1D080] =	vst v63  }
0x231: {  	_ =	swait.ge [sflag:s25], $0x2800  }
0x232: {  	[sflag:s25] =	ssyncset.done $0x0  }
0x233: {  	s15 =	rddreg [dreg:$0xf];
	[sflag:s25] =	ssyncadd.s32 $0xFFFFD800  }
0x234: {  	[tilespmem:s20], [sflag:$0x1] =	stream.indirect.gather [hbm4b:s0+s19], $0x80, s15, s19, $0xb8;
	[tilespmem:$0x1D080] =	vst v63  }
0x235: {  	_ =	swait.ge [sflag:s26], $0x2800  }
0x236: {  	[sflag:s26] =	ssyncset.done $0x0  }
0x237: {  	s6 =	rddreg [dreg:$0x10];
	[sflag:s26] =	ssyncadd.s32 $0xFFFFD800  }
0x238: {  	[spmem:s3] =	stream.indirect.scatter.add.f32 [tilespmem:s23], [sflag:$0x6], $0x80, s6, s19, $0xb8;
	[tilespmem:$0x1D080] =	vst v63  }
0x239: {  	_ =	swait.ge [sflag:s28], $0x2800  }
0x23a: {  	[sflag:s28] =	ssyncset.done $0x0  }
0x23b: {  	s7 =	rddreg [dreg:$0x11];
	[sflag:s28] =	ssyncadd.s32 $0xFFFFD800  }
0x23c: {  	[tilespmem:s21], [sflag:$0x2] =	stream.indirect.gather [hbm4b:s0+s19], $0x80, s7, s19, $0xb8;
	[tilespmem:$0x1D080] =	vst v63  }
0x23d: {  	_ =	swait.ge [sflag:s22], $0x2800  }
0x23e: {  	[sflag:s22] =	ssyncset.done $0x0  }
0x23f: {  	s15 =	rddreg [dreg:$0x12];
	[sflag:s22] =	ssyncadd.s32 $0xFFFFD800  }
0x240: {  	[spmem:s3] =	stream.indirect.scatter.add.f32 [tilespmem:s20], [sflag:$0x4], $0x80, s15, s19, $0xb8;
	[tilespmem:$0x1D080] =	vst v63  }
0x241: {  	_ =	swait.ge [sflag:s29], $0x2800  }
0x242: {  	[sflag:s29] =	ssyncset.done $0x0  }
0x243: {  	s6 =	rddreg [dreg:$0x13];
	[sflag:s29] =	ssyncadd.s32 $0xFFFFD800  }
0x244: {  	[tilespmem:s23], [sflag:$0x3] =	stream.indirect.gather [hbm4b:s0+s19], $0x80, s6, s19, $0xb8;
	[tilespmem:$0x1D080] =	vst v63  }
0x245: {  	_ =	swait.ge [sflag:s24], $0x2800  }
0x246: {  	[sflag:s24] =	ssyncset.done $0x0  }
0x247: {  	s7 =	rddreg [dreg:$0x14];
	[sflag:s24] =	ssyncadd.s32 $0xFFFFD800  }
0x248: {  	[spmem:s3] =	stream.indirect.scatter.add.f32 [tilespmem:s21], [sflag:$0x5], $0x80, s7, s19, $0xb8;
	[tilespmem:$0x1D080] =	vst v63  }
0x249: {  	_ =	swait.ge [sflag:s25], $0x2800  }
0x24a: {  	[sflag:s25] =	ssyncset.done $0x0  }
0x24b: {  	s15 =	rddreg [dreg:$0x15];
	[sflag:s25] =	ssyncadd.s32 $0xFFFFD800  }
0x24c: {  	[tilespmem:s20], [sflag:$0x1] =	stream.indirect.gather [hbm4b:s0+s19], $0x80, s15, s19, $0xb8;
	[tilespmem:$0x1D080] =	vst v63  }
0x24d: {  	_ =	swait.ge [sflag:s26], $0x2800  }
0x24e: {  	[sflag:s26] =	ssyncset.done $0x0  }
0x24f: {  	s6 =	rddreg [dreg:$0x16];
	[sflag:s26] =	ssyncadd.s32 $0xFFFFD800  }
0x250: {  	[spmem:s3] =	stream.indirect.scatter.add.f32 [tilespmem:s23], [sflag:$0x6], $0x80, s6, s19, $0xb8;
	[tilespmem:$0x1D080] =	vst v63  }
0x251: {  	_ =	swait.ge [sflag:s28], $0x2800  }
0x252: {  	[sflag:s28] =	ssyncset.done $0x0  }
0x253: {  	s7 =	rddreg [dreg:$0x17];
	[sflag:s28] =	ssyncadd.s32 $0xFFFFD800  }
0x254: {  	[tilespmem:s21], [sflag:$0x2] =	stream.indirect.gather [hbm4b:s0+s19], $0x80, s7, s19, $0xb8;
	[tilespmem:$0x1D080] =	vst v63  }
0x255: {  	_ =	swait.ge [sflag:s22], $0x2800  }
0x256: {  	[sflag:s22] =	ssyncset.done $0x0  }
0x257: {  	s15 =	rddreg [dreg:$0x18];
	[sflag:s22] =	ssyncadd.s32 $0xFFFFD800  }
0x258: {  	[spmem:s3] =	stream.indirect.scatter.add.f32 [tilespmem:s20], [sflag:$0x4], $0x80, s15, s19, $0xb8;
	[tilespmem:$0x1D080] =	vst v63  }
0x259: {  	_ =	swait.ge [sflag:s29], $0x2800  }
0x25a: {  	[sflag:s29] =	ssyncset.done $0x0  }
0x25b: {  	s6 =	rddreg [dreg:$0x19];
	[sflag:s29] =	ssyncadd.s32 $0xFFFFD800  }
0x25c: {  	[tilespmem:s23], [sflag:$0x3] =	stream.indirect.gather [hbm4b:s0+s19], $0x80, s6, s19, $0xb8;
	[tilespmem:$0x1D080] =	vst v63  }
0x25d: {  	_ =	swait.ge [sflag:s24], $0x2800  }
0x25e: {  	[sflag:s24] =	ssyncset.done $0x0  }
0x25f: {  	s7 =	rddreg [dreg:$0x1a];
	[sflag:s24] =	ssyncadd.s32 $0xFFFFD800  }
0x260: {  	[spmem:s3] =	stream.indirect.scatter.add.f32 [tilespmem:s21], [sflag:$0x5], $0x80, s7, s19, $0xb8;
	[tilespmem:$0x1D080] =	vst v63  }
0x261: {  	_ =	swait.ge [sflag:s25], $0x2800  }
0x262: {  	[sflag:s25] =	ssyncset.done $0x0  }
0x263: {  	s15 =	rddreg [dreg:$0x1b];
	[sflag:s25] =	ssyncadd.s32 $0xFFFFD800  }
0x264: {  	[tilespmem:s20], [sflag:$0x1] =	stream.indirect.gather [hbm4b:s0+s19], $0x80, s15, s19, $0xb8;
	[tilespmem:$0x1D080] =	vst v63  }
0x265: {  	_ =	swait.ge [sflag:s26], $0x2800  }
0x266: {  	[sflag:s26] =	ssyncset.done $0x0  }
0x267: {  	s6 =	rddreg [dreg:$0x1c];
	[sflag:s26] =	ssyncadd.s32 $0xFFFFD800  }
0x268: {  	[spmem:s3] =	stream.indirect.scatter.add.f32 [tilespmem:s23], [sflag:$0x6], $0x80, s6, s19, $0xb8;
	[tilespmem:$0x1D080] =	vst v63  }
0x269: {  	_ =	swait.ge [sflag:s28], $0x2800  }
0x26a: {  	[sflag:s28] =	ssyncset.done $0x0  }
0x26b: {  	s7 =	rddreg [dreg:$0x1d];
	[sflag:s28] =	ssyncadd.s32 $0xFFFFD800  }
0x26c: {  	[tilespmem:s21], [sflag:$0x2] =	stream.indirect.gather [hbm4b:s0+s19], $0x80, s7, s19, $0xb8;
	[tilespmem:$0x1D080] =	vst v63  }
0x26d: {  	_ =	swait.ge [sflag:s22], $0x2800  }
0x26e: {  	[sflag:s22] =	ssyncset.done $0x0  }
0x26f: {  	s15 =	rddreg [dreg:$0x1e];
	[sflag:s22] =	ssyncadd.s32 $0xFFFFD800  }
0x270: {  	[spmem:s3] =	stream.indirect.scatter.add.f32 [tilespmem:s20], [sflag:$0x4], $0x80, s15, s19, $0xb8;
	[tilespmem:$0x1D080] =	vst v63  }
0x271: {  	_ =	swait.ge [sflag:s29], $0x2800  }
0x272: {  	[sflag:s29] =	ssyncset.done $0x0  }
0x273: {  	s6 =	rddreg [dreg:$0x1f];
	[sflag:s29] =	ssyncadd.s32 $0xFFFFD800  }
0x274: {  	[tilespmem:s23], [sflag:$0x3] =	stream.indirect.gather [hbm4b:s0+s19], $0x80, s6, s19, $0xb8;
	[tilespmem:$0x1D080] =	vst v63  }
0x275: {  	_ =	swait.ge [sflag:s24], $0x2800  }
0x276: {  	s7 =	sld [smem:$0x7F3]  }
0x277: {  	[sflag:s24] =	ssyncset.done $0x0  }
0x278: {  	[sflag:s24] =	ssyncadd.s32 $0xFFFFD800  }
0x279: {  	[spmem:s3] =	stream.indirect.scatter.add.f32 [tilespmem:s21], [sflag:$0x5], $0x80, s7, s19, $0xb8;
	[tilespmem:$0x1D080] =	vst v63  }
0x27a: {  	_ =	swait.ge [sflag:s25], $0x2800  }
0x27b: {  	s15 =	sld [smem:$0x7F4]  }
0x27c: {  	[sflag:s25] =	ssyncset.done $0x0  }
0x27d: {  	[sflag:s25] =	ssyncadd.s32 $0xFFFFD800  }
0x27e: {  	[tilespmem:s20], [sflag:$0x1] =	stream.indirect.gather [hbm4b:s0+s19], $0x80, s15, s19, $0xb8;
	[tilespmem:$0x1D080] =	vst v63  }
0x27f: {  	_ =	swait.ge [sflag:s26], $0x2800  }
0x280: {  	s6 =	sld [smem:$0x7F5]  }
0x281: {  	[sflag:s26] =	ssyncset.done $0x0  }
0x282: {  	[sflag:s26] =	ssyncadd.s32 $0xFFFFD800  }
0x283: {  	[spmem:s3] =	stream.indirect.scatter.add.f32 [tilespmem:s23], [sflag:$0x6], $0x80, s6, s19, $0xb8;
	[tilespmem:$0x1D080] =	vst v63  }
0x284: {  	_ =	swait.ge [sflag:s28], $0x2800  }
0x285: {  	s7 =	sld [smem:$0x7F6]  }
0x286: {  	[sflag:s28] =	ssyncset.done $0x0  }
0x287: {  	[sflag:s28] =	ssyncadd.s32 $0xFFFFD800  }
0x288: {  	[tilespmem:s21], [sflag:$0x2] =	stream.indirect.gather [hbm4b:s0+s19], $0x80, s7, s19, $0xb8;
	[tilespmem:$0x1D080] =	vst v63  }
0x289: {  	_ =	swait.ge [sflag:s22], $0x2800  }
0x28a: {  	s15 =	sld [smem:$0x7F7]  }
0x28b: {  	[sflag:s22] =	ssyncset.done $0x0  }
0x28c: {  	[sflag:s22] =	ssyncadd.s32 $0xFFFFD800  }
0x28d: {  	[spmem:s3] =	stream.indirect.scatter.add.f32 [tilespmem:s20], [sflag:$0x4], $0x80, s15, s19, $0xb8;
	[tilespmem:$0x1D080] =	vst v63  }
0x28e: {  	_ =	swait.ge [sflag:s29], $0x2800  }
0x28f: {  	s6 =	sld [smem:$0x7F8]  }
0x290: {  	[sflag:s29] =	ssyncset.done $0x0  }
0x291: {  	[sflag:s29] =	ssyncadd.s32 $0xFFFFD800  }
0x292: {  	[tilespmem:s23], [sflag:$0x3] =	stream.indirect.gather [hbm4b:s0+s19], $0x80, s6, s19, $0xb8;
	[tilespmem:$0x1D080] =	vst v63  }
0x293: {  	_ =	swait.ge [sflag:s24], $0x2800  }
0x294: {  	s7 =	sld [smem:$0x7F9]  }
0x295: {  	[sflag:s24] =	ssyncset.done $0x0  }
0x296: {  	[sflag:s24] =	ssyncadd.s32 $0xFFFFD800  }
0x297: {  	[spmem:s3] =	stream.indirect.scatter.add.f32 [tilespmem:s21], [sflag:$0x5], $0x80, s7, s19, $0xb8;
	[tilespmem:$0x1D080] =	vst v63  }
0x298: {  	_ =	swait.ge [sflag:s25], $0x2800  }
0x299: {  	s15 =	sld [smem:$0x7FA]  }
0x29a: {  	[sflag:s25] =	ssyncset.done $0x0  }
0x29b: {  	[sflag:s25] =	ssyncadd.s32 $0xFFFFD800  }
0x29c: {  	[tilespmem:s20], [sflag:$0x1] =	stream.indirect.gather [hbm4b:s0+s19], $0x80, s15, s19, $0xb8;
	[tilespmem:$0x1D080] =	vst v63  }
0x29d: {  	_ =	swait.ge [sflag:s26], $0x2800  }
0x29e: {  	s6 =	sld [smem:$0x7FB]  }
0x29f: {  	[sflag:s26] =	ssyncset.done $0x0  }
0x2a0: {  	[sflag:s26] =	ssyncadd.s32 $0xFFFFD800  }
0x2a1: {  	[spmem:s3] =	stream.indirect.scatter.add.f32 [tilespmem:s23], [sflag:$0x6], $0x80, s6, s19, $0xb8;
	[tilespmem:$0x1D080] =	vst v63  }
0x2a2: {  	_ =	swait.ge [sflag:s28], $0x2800  }
0x2a3: {  	s7 =	sld [smem:$0x7FC]  }
0x2a4: {  	[sflag:s28] =	ssyncset.done $0x0  }
0x2a5: {  	[sflag:s28] =	ssyncadd.s32 $0xFFFFD800  }
0x2a6: {  	[tilespmem:s21], [sflag:$0x2] =	stream.indirect.gather [hbm4b:s0+s19], $0x80, s7, s19, $0xb8;
	[tilespmem:$0x1D080] =	vst v63  }
0x2a7: {  	_ =	swait.ge [sflag:s22], $0x2800  }
0x2a8: {  	s15 =	sld [smem:$0x7FD]  }
0x2a9: {  	[sflag:s22] =	ssyncset.done $0x0  }
0x2aa: {  	[sflag:s22] =	ssyncadd.s32 $0xFFFFD800  }
0x2ab: {  	[spmem:s3] =	stream.indirect.scatter.add.f32 [tilespmem:s20], [sflag:$0x4], $0x80, s15, s19, $0xb8;
	[tilespmem:$0x1D080] =	vst v63  }
0x2ac: {  	_ =	swait.ge [sflag:s29], $0x2800  }
0x2ad: {  	[sflag:s29] =	ssyncset.done $0x0  }
0x2ae: {  	[sflag:s29] =	ssyncadd.s32 $0xFFFFD800  }
0x2af: {  	[tilespmem:s23], [sflag:$0x3] =	stream.indirect.gather [hbm4b:s0+s19], $0x80, s30, s19, $0xb8;
	[tilespmem:$0x1D080] =	vst v63  }
0x2b0: {  	_ =	swait.ge [sflag:s24], $0x2800  }
0x2b1: {  	[sflag:s24] =	ssyncset.done $0x0  }
0x2b2: {  	[sflag:s24] =	ssyncadd.s32 $0xFFFFD800  }
0x2b3: {  	[spmem:s3] =	stream.indirect.scatter.add.f32 [tilespmem:s21], [sflag:$0x5], $0x80, s31, s19, $0xb8;
	[tilespmem:$0x1D080] =	vst v63  }
0x2b4: {  	_ =	swait.ge [sflag:s25], $0x2800  }
0x2b5: {  	[sflag:s25] =	ssyncset.done $0x0  }
0x2b6: {  	[sflag:s25] =	ssyncadd.s32 $0xFFFFD800  }
0x2b7: {  	[tilespmem:s20], [sflag:$0x1] =	stream.indirect.gather [hbm4b:s0+s19], $0x80, s2, s19, $0xb8;
	[tilespmem:$0x1D080] =	vst v63  }
0x2b8: {  	_ =	swait.ge [sflag:s26], $0x2800  }
0x2b9: {  	[sflag:s26] =	ssyncset.done $0x0  }
0x2ba: {  	[sflag:s26] =	ssyncadd.s32 $0xFFFFD800  }
0x2bb: {  	[spmem:s3] =	stream.indirect.scatter.add.f32 [tilespmem:s23], [sflag:$0x6], $0x80, s8, s19, $0xb8;
	[tilespmem:$0x1D080] =	vst v63  }
0x2bc: {  	_ =	swait.ge [sflag:s28], $0x2800  }
0x2bd: {  	[sflag:s28] =	ssyncset.done $0x0  }
0x2be: {  	[sflag:s28] =	ssyncadd.s32 $0xFFFFD800  }
0x2bf: {  	[tilespmem:s21], [sflag:$0x2] =	stream.indirect.gather [hbm4b:s0+s19], $0x80, s9, s19, $0xb8;
	[tilespmem:$0x1D080] =	vst v63  }
0x2c0: {  	_ =	swait.ge [sflag:s22], $0x2800  }
0x2c1: {  	[sflag:s22] =	ssyncset.done $0x0  }
0x2c2: {  	[sflag:s22] =	ssyncadd.s32 $0xFFFFD800  }
0x2c3: {  	[spmem:s3] =	stream.indirect.scatter.add.f32 [tilespmem:s20], [sflag:$0x4], $0x80, s10, s19, $0xb8;
	[tilespmem:$0x1D080] =	vst v63  }
0x2c4: {  	_ =	swait.ge [sflag:s29], $0x2800  }
0x2c5: {  	[sflag:s29] =	ssyncset.done $0x0  }
0x2c6: {  	[sflag:s29] =	ssyncadd.s32 $0xFFFFD800  }
0x2c7: {  	[tilespmem:s23], [sflag:$0x3] =	stream.indirect.gather [hbm4b:s0+s19], $0x80, s11, s19, $0xb8;
	[tilespmem:$0x1D080] =	vst v63  }
0x2c8: {  	_ =	swait.ge [sflag:s24], $0x2800  }
0x2c9: {  	[sflag:s24] =	ssyncset.done $0x0  }
0x2ca: {  	[sflag:s24] =	ssyncadd.s32 $0xFFFFD800  }
0x2cb: {  	[spmem:s3] =	stream.indirect.scatter.add.f32 [tilespmem:s21], [sflag:$0x5], $0x80, s12, s19, $0xb8;
	[tilespmem:$0x1D080] =	vst v63  }
0x2cc: {  	_ =	swait.ge [sflag:s25], $0x2800  }
0x2cd: {  	[sflag:s25] =	ssyncset.done $0x0  }
0x2ce: {  	[sflag:s25] =	ssyncadd.s32 $0xFFFFD800  }
0x2cf: {  	[tilespmem:s20], [sflag:$0x1] =	stream.indirect.gather [hbm4b:s0+s19], $0x80, s13, s19, $0xb8;
	[tilespmem:$0x1D080] =	vst v63  }
0x2d0: {  	_ =	swait.ge [sflag:s26], $0x2800  }
0x2d1: {  	[sflag:s26] =	ssyncset.done $0x0  }
0x2d2: {  	[sflag:s26] =	ssyncadd.s32 $0xFFFFD800  }
0x2d3: {  	[spmem:s3] =	stream.indirect.scatter.add.f32 [tilespmem:s23], [sflag:$0x6], $0x80, s1, s19, $0xb8;
	[tilespmem:$0x1D080] =	vst v63  }
0x2d4: {  	_ =	swait.ge [sflag:s22], $0x2800  }
0x2d5: {  	[sflag:s22] =	ssyncset.done $0x0  }
0x2d6: {  	[sflag:s22] =	ssyncadd.s32 $0xFFFFD800  }
0x2d7: {  	[spmem:s3] =	stream.indirect.scatter.add.f32 [tilespmem:s20], [sflag:$0x4], $0x80, s14, s19, $0xb8;
	[tilespmem:$0x1D080] =	vst v63  }
0x2d8: {  	_ =	swait.ge [sflag:s28], $0x2800  }
0x2d9: {  	[sflag:s28] =	ssyncset.done $0x0  }
0x2da: {  	[sflag:s28] =	ssyncadd.s32 $0xFFFFD800  }
0x2db: {  	_ =	swait.ge [sflag:s29], $0x2800  }
0x2dc: {  	[sflag:s29] =	ssyncset.done $0x0  }
0x2dd: {  	[sflag:s29] =	ssyncadd.s32 $0xFFFFD800  }
0x2de: {  	_ =	swait.ge [sflag:s25], $0x2800  }
0x2df: {  	[sflag:s25] =	ssyncset.done $0x0  }
0x2e0: {  	[sflag:s25] =	ssyncadd.s32 $0xFFFFD800  }
0x2e1: {  	[bflag:$0x0] =	sbarrier.arrive $0xFFFF  }
0x2e2: {  	s7 =	sld [smem:$0x7EE]  }
0x2e3: {  	s15 =	sld [smem:$0x7EC];
	_ =	sdelay $0x1  }
0x2e4: {  	s6 =	simm.s32 @!p1 $0x1FC7;
	s5 =	sshrl.u32 @!p1 s7, $0x3  }
0x2e5: {  	[hbm:s15], [sflag:s6] =	dma.local @!p1 [spmem:s5], $0x1900  }
0x2e6: {  	s5 =	simm.s32 @!p1 $0x7  }
0x2e7: {  	_ =	swait.ge @!p1 [sflag:s5], $0x1900  }
0x2e8: {  	[sflag:s5] =	ssyncset.done @!p1 $0x0  }
0x2e9: {  	[sflag:s5] =	ssyncadd.s32 @!p1 $0xFFFFE700;
	s5 =	sshrl.u32 @!p2 s7, $0x3;
	s7 =	sld [smem:$0x7EB]  }
0x2ea: {  	_ = 	snop  }
0x2eb: {  	s6 =	simm.s32 @!p2 $0x1FC7  }
0x2ec: {  	[hbm:s7], [sflag:s6] =	dma.local @!p2 [spmem:s5], $0x1900  }
0x2ed: {  	s5 =	simm.s32 @!p2 $0x7  }
0x2ee: {  	_ =	swait.ge @!p2 [sflag:s5], $0x1900  }
0x2ef: {  	s7 =	sld [smem:$0x7F1]  }
0x2f0: {  	s6 =	stileid.u32;
	s15 =	sld [smem:$0x7EA]  }
0x2f1: {  	s6 =	sshll.u32 @!p3 s6, $0x6;
	[sflag:s5] =	ssyncset.done @!p2 $0x0  }
0x2f2: {  	[sflag:s5] =	ssyncadd.s32 @!p2 $0xFFFFE700;
	s5 =	sor.u32 @!p3 $0x1C07, s6;
	s6 =	sshrl.u32 @!p3 s7, $0x3  }
0x2f3: {  	[hbm:s15], [sflag:s5] =	dma.local @!p3 [spmem:s6], $0x2800  }
0x2f4: {  	s5 =	simm.s32 @!p3 $0x7  }
0x2f5: {  	_ =	swait.ge @!p3 [sflag:s5], $0x2800  }
0x2f6: {  	s6 =	stileid.u32;
	[sflag:s5] =	ssyncset.done @!p3 $0x0  }
0x2f7: {  	s6 =	sshll.u32 @!p4 s6, $0x6;
	[sflag:s5] =	ssyncadd.s32 @!p3 $0xFFFFD800  }
0x2f8: {  	s5 =	sor.u32 @!p4 $0x1C07, s6;
	s6 =	sshrl.u32 @!p4 s7, $0x3;
	s7 =	sld [smem:$0x7E9]  }
0x2f9: {  	_ =	sdelay $0x1  }
0x2fa: {  	[hbm:s7], [sflag:s5] =	dma.local @!p4 [spmem:s6], $0x2800  }
0x2fb: {  	s5 =	simm.s32 @!p4 $0x7  }
0x2fc: {  	_ =	swait.ge @!p4 [sflag:s5], $0x2800  }
0x2fd: {  	s6 =	sld [smem:$0x7E7]  }
0x2fe: {  	s15 =	sld [smem:$0x7ED];
	_ =	sdelay $0x1  }
0x2ff: {  	s7 =	sadd.s32 $0x1, s6  }
0x300: {  	p5 =	sne.s32 s7, s15  }
.Ltmp1:
0x301: {  	_ = 	snop;
	(pc) =	sbr.rel @p5 .LBB2_1-.Ltmp1, $3  }
0x302: {  	_ =	sdelay $0x1  }
0x303: {  	[sflag:s5] =	ssyncset.done @!p4 $0x0  }
0x304: {  	[sflag:s5] =	ssyncadd.s32 @!p4 $0xFFFFD800  }
0x305: {  	_ =	sfence.sel $0x180000  }
0x306: {  	[bflag:$0x0] =	sbarrier.arrive $0xFFFF  }
0x307: {  	_ =	strace $0x9000004A  }
0x308: {  	s0 =	stileid.u32;
	[bflag:$0x2] =	sbarrier.arrive $0xFFFF  }
0x309: {  	p0 =	sne.s32 s0, $0x0;
	s0 =	rddreg [dreg:$0x3]  }
0x30a: {  	s0 =	sadd.s32 @!p0 $0x100000, s0  }
0x30b: {  	[sflag:s0] =	ssyncadd.tile.s32 @!p0 $0x1;
	_ =	shalt  }
.Lfunc_end2:
_tile_overlayer_lowered:
.L_overlay_start_2:
0x30c: {  	(tag) =	ssettag $0x2  }
0x30d: {  	s0 =	rddreg [dreg:$0x0];
	s2 =	stileid.u32  }
0x30e: {  	s1 =	rddreg [dreg:$0x1];
	p0 =	sne.s32 s2, $0x0  }
0x30f: {  	s3 =	rddreg [dreg:$0x2];
	[bflag:$0x3] =	sbarrier.arrive $0xFFFF;
	s2 =	simm.s32 @!p0 $0x1C07  }
0x310: {  	[timem:s3], [sflag:s2] =	dma.local @!p0 [hbm:s0], s1  }
0x311: {  	s0 =	simm.s32 @!p0 $0x7  }
0x312: {  	_ =	swait.ge @!p0 [sflag:s0], s1  }
0x313: {  	s1 =	ssub.s32 @!p0 $0x0, s1;
	[sflag:s0] =	ssyncset.done @!p0 $0x0  }
0x314: {  	[sflag:s0] =	ssyncadd.s32 @!p0 s1  }
0x315: {  	[bflag:$0x3] =	sbarrier.arrive $0xFFFF  }
0x316: {  	_ =	shalt  }

// kernel: kernel.7.cloned.1.call-start
scs
__scs_entry_jumppad:
0x0: {  	(pc) =	sbr.rel $0x88, $3  }
0x1: {  	(tag) =	ssettag $0x0;
	lr =	simm.s32 $0x1  }
0x2: {  	[smem:$0x3F9B] =	sst lr;
	_ =	strace $0xD0000000  }
0x3: {  	_ = 	snop  }
0x4: {  	_ = 	snop  }
0x5: {  	_ = 	snop  }
0x6: {  	_ = 	snop  }
0x7: {  	_ = 	snop  }
__scs_overlays_trampoline_lowered:
0x8: {  	[smem:$0x3FAA] =	sst s0  }
0x9: {  	[smem:$0x3FAB] =	sst s1  }
0xa: {  	[smem:$0x3FAC] =	sst s2  }
0xb: {  	[smem:$0x3FAD] =	sst s3  }
0xc: {  	[smem:$0x3FAE] =	sst s4  }
0xd: {  	[smem:$0x3FAF] =	sst s5  }
0xe: {  	[smem:$0x3FB0] =	sst s6  }
0xf: {  	[smem:$0x3FB1] =	sst s7  }
0x10: {  	[smem:$0x3FB2] =	sst s8  }
0x11: {  	[smem:$0x3FB3] =	sst s9;
	s0 =	simm.s32 @!p0 $0x0  }
0x12: {  	s1 =	sld [smem:$0x3F99];
	s0 =	simm.s32 @p0 $0x1  }
0x13: {  	[smem:$0x3FB4] =	sst s0;
	s0 =	simm.s32 @!p1 $0x0  }
0x14: {  	s2 =	sld [smem:$0x3F98];
	s0 =	simm.s32 @p1 $0x1  }
0x15: {  	[smem:$0x3FB5] =	sst s0;
	s0 =	simm.s32 @!p2 $0x0  }
0x16: {  	s3 =	sld [smem:$0x3FDB];
	s0 =	simm.s32 @p2 $0x1  }
0x17: {  	s4 =	simm.s32 $0x1BF5;
	[smem:$0x3FB7] =	sst s0  }
0x18: {  	s0 =	sld [smem:$0x3F9A];
	_ =	swait.ge [sflag:s4], $0x0  }
0x19: {  	s7 =	sld [smem:$0x3F9B]  }
0x1a: {  	s8 =	sadd.s32 $0xFFFFE003, lr  }
0x1b: {  	s9 =	sadd.s32 $0xFFFFFEF7, lr;
	s5 =	simm.s32 $0xFFFFFFFF;
	p2 =	slt.u32 s8, $0xFFFFF086  }
0x1c: {  	p1 =	slt.u32 s9, $0xF7A;
	s5 =	simm.s32 @!p2 $0x0  }
0x1d: {  	s5 =	simm.s32 @p1 $0x1;
	p0 =	seq.s32 s7, s2  }
0x1e: {  	s7 =	smul.u32 @!p0 $0xF7A, s2;
	p2 =	seq.s32 @!p0 s5, $0x0  }
0x1f: {  	s9 =	smul.u32 $0xF7A, s1;
	s8 =	simm.s32 @!p0 $0x1BF5;
	p2 =	por !p2, p0  }
0x20: {  	[sflag:s8] =	ssyncset.s32 @!p0 $0xFFFFF086;
	s6 =	sadd.s32 @!p0 s3, s7;
	s7 =	simm.s32 @!p0 $0x108  }
0x21: {  	s3 =	sadd.s32 s3, s9;
	s6 =	sadd.s32 @!p0 $0x88, s6;
	s7 =	simm.s32 @p2 $0x1082  }
0x22: {  	[simem:s7], [sflag:s8] =	dma.local @!p0 [hbm:s6], $0xF7A  }
0x23: {  	s9 =	sor.u32 $0xD0000000, s2;
	s6 =	simm.s32 $0x108;
	_ =	swait.ge @!p0 [sflag:s8], $0x0  }
0x24: {  	s3 =	sadd.s32 $0x88, s3;
	s6 =	simm.s32 @!p1 $0x1082;
	[sflag:s4] =	ssyncset.s32 $0xFFFFF086  }
0x25: {  	[simem:s6], [sflag:s4] =	dma.local [hbm:s3], $0xF7A  }
0x26: {  	[smem:$0x3F9B] =	sst s1;
	(tag) =	ssettag s2;
	_ =	strace s9  }
0x27: {  	s1 =	sld [smem:$0x3FAB]  }
0x28: {  	s2 =	sld [smem:$0x3FAC]  }
0x29: {  	s4 =	sld [smem:$0x3FAE]  }
0x2a: {  	p0 =	seq.s32 s5, $0x0;
	s5 =	sld [smem:$0x3FAF]  }
0x2b: {  	s6 =	sld [smem:$0x3FB0]  }
0x2c: {  	s7 =	sld [smem:$0x3FB1]  }
0x2d: {  	s3 =	simm.s32 $0x108;
	s8 =	sld [smem:$0x3FB2]  }
0x2e: {  	s3 =	simm.s32 @!p0 $0x1082;
	s9 =	sld [smem:$0x3FB3]  }
0x2f: {  	lr =	sadd.s32 s0, s3;
	s0 =	sld [smem:$0x3FAA]  }
0x30: {  	s3 =	sld [smem:$0x3FAD]  }
0x31: {  	[smem:$0x3FB6] =	sst s10  }
0x32: {  	s10 =	sld [smem:$0x3FB4];
	_ =	sdelay $0x3  }
0x33: {  	p0 =	seq.s32 s10, $0x1;
	s10 =	sld [smem:$0x3FB6];
	_ =	sdelay $0x3  }
0x34: {  	[smem:$0x3FB6] =	sst s10  }
0x35: {  	s10 =	sld [smem:$0x3FB5];
	_ =	sdelay $0x3  }
0x36: {  	p1 =	seq.s32 s10, $0x1;
	s10 =	sld [smem:$0x3FB6];
	_ =	sdelay $0x3  }
0x37: {  	[smem:$0x3FB6] =	sst s10  }
0x38: {  	s10 =	sld [smem:$0x3FB7]  }
0x39: {  	_ = 	snop;
	(pc) =	sbr.ind lr, $3  }
0x3a: {  	_ = 	snop  }
0x3b: {  	_ = 	snop  }
0x3c: {  	p2 =	seq.s32 s10, $0x1;
	s10 =	sld [smem:$0x3FB6]  }
0x3d: {  	_ =	shalt  }
0x3e: {  	_ =	shalt  }
0x3f: {  	_ =	shalt  }
0x40: {  	_ =	shalt  }
0x41: {  	_ =	shalt  }
0x42: {  	_ =	shalt  }
0x43: {  	_ =	shalt  }
0x44: {  	_ =	shalt  }
0x45: {  	_ =	shalt  }
0x46: {  	_ =	shalt  }
0x47: {  	_ =	shalt  }
0x48: {  	_ =	shalt  }
0x49: {  	_ =	shalt  }
0x4a: {  	_ =	shalt  }
0x4b: {  	_ =	shalt  }
0x4c: {  	_ =	shalt  }
0x4d: {  	_ =	shalt  }
0x4e: {  	_ =	shalt  }
0x4f: {  	_ =	shalt  }
0x50: {  	_ =	shalt  }
0x51: {  	_ =	shalt  }
0x52: {  	_ =	shalt  }
0x53: {  	_ =	shalt  }
0x54: {  	_ =	shalt  }
0x55: {  	_ =	shalt  }
0x56: {  	_ =	shalt  }
0x57: {  	_ =	shalt  }
0x58: {  	_ =	shalt  }
0x59: {  	_ =	shalt  }
0x5a: {  	_ =	shalt  }
0x5b: {  	_ =	shalt  }
0x5c: {  	_ =	shalt  }
0x5d: {  	_ =	shalt  }
0x5e: {  	_ =	shalt  }
0x5f: {  	_ =	shalt  }
0x60: {  	_ =	shalt  }
0x61: {  	_ =	shalt  }
0x62: {  	_ =	shalt  }
0x63: {  	_ =	shalt  }
0x64: {  	_ =	shalt  }
0x65: {  	_ =	shalt  }
0x66: {  	_ =	shalt  }
0x67: {  	_ =	shalt  }
0x68: {  	_ =	shalt  }
0x69: {  	_ =	shalt  }
0x6a: {  	_ =	shalt  }
0x6b: {  	_ =	shalt  }
0x6c: {  	_ =	shalt  }
0x6d: {  	_ =	shalt  }
0x6e: {  	_ =	shalt  }
0x6f: {  	_ =	shalt  }
0x70: {  	_ =	shalt  }
0x71: {  	_ =	shalt  }
0x72: {  	_ =	shalt  }
0x73: {  	_ =	shalt  }
0x74: {  	_ =	shalt  }
0x75: {  	_ =	shalt  }
0x76: {  	_ =	shalt  }
0x77: {  	_ =	shalt  }
0x78: {  	_ =	shalt  }
0x79: {  	_ =	shalt  }
0x7a: {  	_ =	shalt  }
0x7b: {  	_ =	shalt  }
0x7c: {  	_ =	shalt  }
0x7d: {  	_ =	shalt  }
0x7e: {  	_ =	shalt  }
0x7f: {  	_ =	shalt  }
0x80: {  	_ =	shalt  }
0x81: {  	_ =	shalt  }
0x82: {  	_ =	shalt  }
0x83: {  	_ =	shalt  }
0x84: {  	_ =	shalt  }
0x85: {  	_ =	shalt  }
0x86: {  	_ =	shalt  }
0x87: {  	_ =	shalt  }
.Lfunc_end0:
.L_simem_size_0:
called_computation_lowered:
.L_overlay_start_0:
0x88: {  	s2 =	sld [smem:$0x3FD9]  }
0x89: {  	s3 =	sld [smem:$0x3FFE];
	_ =	sdelay $0x1  }
0x8a: {  	s1 =	srdreg.scid  }
0x8b: {  	s0 =	sand.u32 $0x1, s1  }
0x8c: {  	s17 =	sshll.u32 s0, $0xA;
	s2 =	sadd.s32 s3, s2  }
0x8d: {  	s2 =	sadd.s32 s2, s17  }
0x8e: {  	[smem:$0x3FC2] =	sst s2  }
0x8f: {  	_ = 	snop  }
0x90: {  	s2 =	sld [smem:$0x3FD0];
	(tm) =	ssettm $0x1  }
0x91: {  	s18 =	sld [smem:$0x3FFB];
	_ =	sdelay $0x3  }
0x92: {  	_ =	strace s18  }
0x93: {  	s3 =	sld [smem:$0x3FFC];
	_ =	sdelay $0x3  }
0x94: {  	_ =	strace s3  }
0x95: {  	s3 =	sld [smem:$0x3FFD];
	_ =	sdelay $0x3  }
0x96: {  	_ =	strace s3  }
0x97: {  	_ =	strace $0x8FFFFFFF  }
0x98: {  	s19 =	sld [smem:$0x3FDB];
	_ =	sdelay $0x1  }
0x99: {  	s4 =	simm.s32 $_scs_section_size  }
0x9a: {  	s5 =	simm.s32 $_size__tile_overlayer_lowered;
	s6 =	simm.s32 $_tile_overlayer_lowered  }
0x9b: {  	s22 =	simm.s32 $0x1BFF;
	s21 =	sshll.u32 s6, $0x1;
	s3 =	sadd.s32 s4, s19  }
0x9c: {  	s7 =	simm.s32 $0x0;
	s20 =	sshll.u32 s5, $0x1;
	s5 =	sadd.s32 s21, s3  }
0x9d: {  	[timem:s7], [sflag:s22] =	dma.local [hbm:s5], s20  }
0x9e: {  	_ =	swait.ge [sflag:s22], s20  }
0x9f: {  	s4 =	ssub.s32 $0x0, s20;
	[sflag:s22] =	ssyncset.done $0x0  }
0xa0: {  	[sflag:s22] =	ssyncadd.s32 s4;
	_ =	sdelay $0x1  }
0xa1: {  	s23 =	simm.s32 $0x1B8B  }
0xa2: {  	_ =	swait.ge [sflag:s23], $0x1  }
0xa3: {  	[sflag:s23] =	ssyncset.done $0x0  }
0xa4: {  	s25 =	simm.s32 $0x1B8E;
	s24 =	sld [smem:$0x3FFE];
	[sflag:s23] =	ssyncadd.s32 $0xFFFFFFFF  }
0xa5: {  	s26 =	simm.s32 $execute0_lowered;
	[smem:$0x3FD2] =	sst s25  }
0xa6: {  	s5 =	sshll.u32 s26, $0x1;
	_ =	strace $0x80000046;
	[dreg:$0x1] =	wrdreg $0xFFFFFFFF  }
0xa7: {  	s28 =	simm.s32 $_size_execute0_lowered;
	s3 =	sadd.s32 s3, s5;
	[dreg:$0x0] =	wrdreg $0x0  }
0xa8: {  	s5 =	sshll.u32 s28, $0x1;
	[dreg:$0x2] =	wrdreg s3  }
0xa9: {  	[dreg:$0x3] =	wrdreg s5  }
0xaa: {  	[dreg:$0x4] =	wrdreg $0xC0  }
0xab: {  	_ =	task [dreg:s7], $0x5FFFF  }
0xac: {  	[dreg:$0x1] =	wrdreg $0xFFFFFFFF  }
0xad: {  	[dreg:$0x0] =	wrdreg $0x60  }
0xae: {  	[dreg:$0x2] =	wrdreg s24  }
0xaf: {  	[dreg:$0x3] =	wrdreg s2  }
0xb0: {  	[dreg:$0x4] =	wrdreg $0x0  }
0xb1: {  	[dreg:$0x5] =	wrdreg $0x9  }
0xb2: {  	_ =	task.clear_ibuf [dreg:s7], $0x6FFFF;
	_ =	strace $0x90000046  }
0xb3: {  	s29 =	simm.s32 $0x9;
	_ =	strace $0x80000048  }
0xb4: {  	_ =	swait.ge [sflag:s29], $0x1  }
0xb5: {  	[sflag:s29] =	ssyncadd.s32 $0xFFFFFFFF  }
0xb6: {  	_ =	strace $0x90000048  }
0xb7: {  	_ =	sfence  }
0xb8: {  	s30 =	sld [smem:$0x0];
	_ =	sdelay $0x2  }
0xb9: {  	s31 =	sshll.u32 s1, $0xD;
	s1 =	sshrl.u32 s1, $0x2  }
0xba: {  	s3 =	sand.u32 $0x4000, s31;
	s1 =	sadd.s32 s1, s30  }
0xbb: {  	s0 =	sor.u32 s3, s0;
	s1 =	sshll.u32 s1, $0x11  }
0xbc: {  	s0 =	sor.u32 s1, s0  }
0xbd: {  	s0 =	sadd.s32 $0x8F2B, s0  }
0xbe: {  	[sflag:s0] =	ssyncadd.remote.s32 $0x1  }
0xbf: {  	_ =	sfence.sel $0xFFFF  }
0xc0: {  	[dreg:$0x0] =	wrdreg $0xFFFFFFFF;
	(pc) =	sbr.abs _section_cstart, $3  }
0xc1: {  	[dreg:$0x1] =	wrdreg $0xFFFFFFFF  }
0xc2: {  	_ =	task.clear_ibuf [dreg:s7], $0x2FFFF;
	_ =	strace $0x9FFFFFFF  }
0xc3: {  	(tm) =	ssettm $0x7FFFFFFF  }
tec
execute0_lowered:
.L_overlay_start_1:
0x0: {  	(tag) =	ssettag $0x1  }
0x1: {  	s6 =	rddreg [dreg:$0x0]  }
0x2: {  	s0 =	srdreg.scid;
	s1 =	rddreg [dreg:$0x1]  }
0x3: {  	s2 =	rddreg [dreg:$0x2];
	s20 =	stileid.u32  }
0x4: {  	s3 =	simm.s32 $0x0;
	s11 =	simm.s32 $0x2;
	s13 =	simm.s32 $0x1278  }
0x5: {  	s15 =	simm.s32 $0x2278;
	s17 =	simm.s32 $0x3278;
	s19 =	simm.s32 $0x4278  }
0x6: {  	s21 =	simm.s32 $0x1;
	s8 =	sand.u32 $0x1, s0;
	s0 =	rddreg [dreg:$0x3]  }
0x7: {  	s25 =	simm.s32 $0x0;
	[smem:$0x7FF] =	sst s3;
	s5 =	sadd.s32 $0x16A00, s6  }
0x8: {  	p0 =	seq.s32 s20, $0x0;
	s4 =	sshll.u32 s8, $0x4;
	_ =	strace $0x80000047  }
0x9: {  	s7 =	ssub.s32 $0x2, s8;
	p1 =	seq.s32 s8, $0x1;
	s18 =	sor.u32 s8, s20  }
0xa: {  	s4 =	sor.u32 s20, s4;
	s10 =	sshrl.u32 s7, $0x1;
	p1 =	por !p0, !p1  }
0xb: {  	p0 =	sne.s32 s20, $0x0;
	p2 =	sne.s32 s18, $0x0;
	s4 =	smul.u32 $0xA00, s4  }
0xc: {  	s10 =	ssub.s32 s7, s10;
	p1 =	por !p1, !p1;
	s22 =	sshll.u32 @!p2 s20, $0x6  }
0xd: {  	s20 =	simm.s32 $0x50;
	s23 =	sshrl.u32 @!p2 s2, $0x3;
	s8 =	smax.u32 s10, $0x1  }
0xe: {  	s10 =	simm.s32 $0x5278;
	s22 =	sor.u32 @!p2 $0x1C02, s22;
	s9 =	sadd.s32 s4, s6  }
0xf: {  	s24 =	sshrl.u32 @p1 s2, $0x3;
	s4 =	sadd.s32 $0x16800, s6;
	s7 =	sadd.s32 $0x2800, s9  }
0x10: {  	s6 =	sadd.s32 $0x17000, s6;
	s9 =	sshrl.u32 @!p0 s2, $0x3;
	s12 =	sadd.s32 $0x200, s7  }
0x11: {  	s14 =	sadd.s32 $0x400, s7;
	s16 =	sadd.s32 $0x600, s7;
	s18 =	sadd.s32 $0x800, s7  }
.LBB2_1:
0x12: {  	s26 =	simm.s32 @!p0 $0x1C02  }
0x13: {  	[spmem:s9], [sflag:s26] =	dma.local @!p0 [hbm:s1], $0x4F0  }
0x14: {  	s26 =	simm.s32 @!p0 $0x2  }
0x15: {  	_ =	swait.ge @!p0 [sflag:s26], $0x4F0  }
0x16: {  	[sflag:s26] =	ssyncset.done @!p0 $0x0  }
0x17: {  	[sflag:s26] =	ssyncadd.s32 @!p0 $0xFFFFFB10  }
0x18: {  	[tilespmem:s10], [sflag:$0x2] =	stream.linear.gather [hbm4b:s4+s3], $0x80, $0x38;
	[tilespmem:$0x52F8] =	vst v63  }
0x19: {  	_ =	swait.ge [sflag:s11], $0x80  }
0x1a: {  	[sflag:s11] =	ssyncset.done $0x0  }
0x1b: {  	s26 =	simm.s32 $0x278;
	[sflag:s11] =	ssyncadd.s32 $0xFFFFFF80  }
0x1c: {  	[tilespmem:s26], [sflag:$0x2] =	stream.linear.gather [hbm4b:s7+s3], $0xC80, $0x38;
	[tilespmem:$0x52F8] =	vst v63  }
0x1d: {  	_ = 	snop  }
0x1e: {  	[tilespmem:s13], [sflag:$0x2] =	stream.linear.gather [hbm4b:s12+s3], $0xC80, $0x38;
	[tilespmem:$0x52F8] =	vst v63  }
0x1f: {  	_ = 	snop  }
0x20: {  	[tilespmem:s15], [sflag:$0x2] =	stream.linear.gather [hbm4b:s14+s3], $0xC80, $0x38;
	[tilespmem:$0x52F8] =	vst v63  }
0x21: {  	s28 =	smulhi.u32 $0x51EB851F, s3  }
0x22: {  	[tilespmem:s17], [sflag:$0x2] =	stream.linear.gather [hbm4b:s16+s3], $0xC80, $0x38;
	[tilespmem:$0x52F8] =	vst v63  }
0x23: {  	s28 =	sshrl.u32 s28, $0x3  }
0x24: {  	[tilespmem:s19], [sflag:$0x2] =	stream.linear.gather [hbm4b:s18+s3], $0xC80, $0x38;
	[tilespmem:$0x52F8] =	vst v63  }
0x25: {  	s29 =	simm.s32 $0x1;
	s28 =	smul.u32 $0xE00, s28;
	_ =	swait.ge [sflag:s11], $0x3E80  }
0x26: {  	s29 =	smulhi.u32 $0x51EB851F, s29;
	[sflag:s11] =	ssyncset.done $0x0  }
0x27: {  	s28 =	sshra.s32 s28, $0x2;
	[sflag:s11] =	ssyncadd.s32 $0xFFFFC180  }
0x28: {  	s29 =	sshrl.u32 s29, $0x3;
	s28 =	sadd.s32 $0x278, s28;
	[bflag:$0x0] =	sbarrier.arrive $0xFFFF  }
0x29: {  	[spmem:s2] =	stream.indirect.scatter.add.f32 [tilespmem:s10], [sflag:$0x1], $0x1, s28, s20, $0xb8;
	[tilespmem:$0x52F8] =	vst v63  }
0x2a: {  	s29 =	smul.u32 $0xE00, s29;
	s28 =	simm.s32 $0x2  }
.LBB2_2:
0x2b: {  	s30 =	smulhi.u32 $0x51EB851F, s28;
	p3 =	sne.s32 s28, $0x7C  }
.Ltmp0:
0x2c: {  	s26 =	sadd.s32 $0x80, s26;
	s29 =	sshra.s32 s29, $0x2;
	(pc) =	sbr.rel @p3 .LBB2_2-.Ltmp0, $4  }
0x2d: {  	s28 =	sadd.s32 $0x1, s28;
	s29 =	sadd.s32 s29, s26  }
0x2e: {  	[spmem:s2] =	stream.indirect.scatter.add.f32 [tilespmem:s10], [sflag:$0x1], $0x1, s29, s20, $0xb8;
	[tilespmem:$0x52F8] =	vst v63  }
0x2f: {  	s29 =	sshrl.u32 s30, $0x3  }
0x30: {  	s29 =	smul.u32 $0xE00, s29  }
0x31: {  	_ = 	snop  }
0x32: {  	s26 =	sadd.s32 $0x80, s26;
	s28 =	sshra.s32 s29, $0x2  }
0x33: {  	s26 =	sadd.s32 s28, s26  }
0x34: {  	[spmem:s2] =	stream.indirect.scatter.add.f32 [tilespmem:s10], [sflag:$0x1], $0x1, s26, s20, $0xb8;
	[tilespmem:$0x52F8] =	vst v63  }
0x35: {  	_ =	swait.ge [sflag:s21], $0x50  }
0x36: {  	s26 =	simm.s32 $0x7C;
	[sflag:s21] =	ssyncset.done $0x0  }
.LBB2_4:
0x37: {  	p3 =	sne.s32 s26, $0x1;
	s26 =	sadd.s32 $0xFFFFFFFF, s26;
	[sflag:s21] =	ssyncadd.s32 $0xFFFFFFB0  }
.Ltmp1:
0x38: {  	(pc) =	sbr.rel @p3 .LBB2_4-.Ltmp1, $3  }
0x39: {  	_ =	sdelay $0x1  }
0x3a: {  	_ =	swait.ge [sflag:s21], $0x50  }
0x3b: {  	[sflag:s21] =	ssyncset.done $0x0  }
0x3c: {  	[sflag:s21] =	ssyncadd.s32 $0xFFFFFFB0  }
0x3d: {  	s26 =	simm.s32 @!p2 $0x2;
	[bflag:$0x0] =	sbarrier.arrive $0xFFFF  }
0x3e: {  	[hbm:s5], [sflag:s22] =	dma.local @!p2 [spmem:s23], $0x4F0  }
0x3f: {  	_ =	swait.ge @!p2 [sflag:s26], $0x4F0  }
0x40: {  	s25 =	sadd.s32 $0x1, s25;
	[sflag:s26] =	ssyncset.done @!p2 $0x0  }
0x41: {  	p3 =	sne.s32 s25, s8;
	[sflag:s26] =	ssyncadd.s32 @!p2 $0xFFFFFB10;
	s26 =	simm.s32 @p1 $0x1C02  }
0x42: {  	[hbm:s6], [sflag:s26] =	dma.local @p1 [spmem:s24], $0x4F0  }
.Ltmp2:
0x43: {  	_ = 	snop;
	(pc) =	sbr.rel @p3 .LBB2_1-.Ltmp2, $4  }
0x44: {  	s26 =	simm.s32 @p1 $0x2  }
0x45: {  	_ =	swait.ge @p1 [sflag:s26], $0x4F0  }
0x46: {  	[sflag:s26] =	ssyncset.done @p1 $0x0  }
0x47: {  	[sflag:s26] =	ssyncadd.s32 @p1 $0xFFFFFB10  }
0x48: {  	_ =	sfence.sel $0x180000  }
0x49: {  	[bflag:$0x0] =	sbarrier.arrive $0xFFFF  }
0x4a: {  	_ =	strace $0x90000047  }
0x4b: {  	s0 =	sadd.s32 @!p0 $0x100000, s0;
	[bflag:$0x2] =	sbarrier.arrive $0xFFFF  }
0x4c: {  	[sflag:s0] =	ssyncadd.tile.s32 @!p0 $0x1;
	_ =	shalt  }
.Lfunc_end2:
_tile_overlayer_lowered:
.L_overlay_start_2:
0x4d: {  	(tag) =	ssettag $0x2  }
0x4e: {  	s0 =	rddreg [dreg:$0x0];
	s2 =	stileid.u32  }
0x4f: {  	s1 =	rddreg [dreg:$0x1];
	p0 =	sne.s32 s2, $0x0  }
0x50: {  	s3 =	rddreg [dreg:$0x2];
	[bflag:$0x3] =	sbarrier.arrive $0xFFFF;
	s2 =	simm.s32 @!p0 $0x1C02  }
0x51: {  	[timem:s3], [sflag:s2] =	dma.local @!p0 [hbm:s0], s1  }
0x52: {  	s0 =	simm.s32 @!p0 $0x2  }
0x53: {  	_ =	swait.ge @!p0 [sflag:s0], s1  }
0x54: {  	s1 =	ssub.s32 @!p0 $0x0, s1;
	[sflag:s0] =	ssyncset.done @!p0 $0x0  }
0x55: {  	[sflag:s0] =	ssyncadd.s32 @!p0 s1  }
0x56: {  	[bflag:$0x3] =	sbarrier.arrive $0xFFFF  }
0x57: {  	_ =	shalt  }

</sc_bundles>
